<compile_context>
chip_gen: v7x
topology: tpu7x:2x2x1
jax: 0.10.2.dev20260603
libtpu: 0.0.44.dev20260713+nightly
codegen_flags: <defaults>
</compile_context>

<pallas_src>
import functools
import jax
import jax.numpy as jnp
from jax import lax
from jax.experimental import pallas as pl
from jax.experimental.pallas import tpu as pltpu
from jax.experimental.pallas import tpu_sc as plsc

VOCAB = 32000
ROWS = 1024
NC, NS, L = 2, 16, 16
NW = NC * NS
RPW = ROWS // NW
GROUP = 1
BUFW = GROUP * VOCAB
NDMA = RPW // GROUP


def _sc_body(ids_hbm, out_hbm, ids_v, buf, pos_v, val_v, fsem, ssem):
    wid = lax.axis_index("s") * NC + lax.axis_index("c")
    base = wid * RPW
    pltpu.sync_copy(ids_hbm.at[pl.ds(base, RPW)], ids_v)

    fill = jnp.full((L,), -20.0, jnp.float32)

    def fill_body(i, _):
        buf[pl.ds(i * L, L)] = fill
        return 0

    lax.fori_loop(0, BUFW // L, fill_body, 0)

    for g in range(NDMA):
        pltpu.make_async_copy(
            buf,
            out_hbm.at[pl.ds((base + g * GROUP) * VOCAB, BUFW)],
            fsem,
        ).start()

    lane = lax.iota(jnp.int32, L)
    v20 = jnp.full((L,), 20.0, jnp.float32)
    for h in range(RPW // L):
        ids = ids_v[pl.ds(h * L, L)]
        hot = lax.rem(ids + 1, VOCAB)
        pos_v[pl.ds(h * L, L)] = (base + h * L + lane) * VOCAB + hot
        val_v[pl.ds(h * L, L)] = v20

    for g in range(NDMA):
        pltpu.make_async_copy(
            buf,
            out_hbm.at[pl.ds((base + g * GROUP) * VOCAB, BUFW)],
            fsem,
        ).wait()

    pltpu.make_async_copy(val_v, out_hbm.at[pos_v], ssem).start()
    pltpu.make_async_copy(val_v, out_hbm.at[pos_v], ssem).wait()


_sc_kernel = functools.partial(
    pl.kernel,
    mesh=plsc.VectorSubcoreMesh(core_axis_name="c", subcore_axis_name="s"),
    out_type=jax.ShapeDtypeStruct((ROWS * VOCAB,), jnp.float32),
    scratch_types=[
        pltpu.VMEM((RPW,), jnp.int32),
        pltpu.VMEM((BUFW,), jnp.float32),
        pltpu.VMEM((RPW,), jnp.int32),
        pltpu.VMEM((RPW,), jnp.float32),
        pltpu.SemaphoreType.DMA,
        pltpu.SemaphoreType.DMA,
    ],
    compiler_params=pltpu.CompilerParams(needs_layout_passes=False),
)(_sc_body)


def kernel(input_ids):
    B, S = input_ids.shape
    ids = input_ids.reshape(B * S).astype(jnp.int32)
    out = _sc_kernel(ids)
    return out.reshape(B, S, VOCAB)

# --- scband reference (transcript-rebuilt; emitter-appended) ---
"""Pipeline reference for scband-shift-model-34368328303162 (READ-ONLY COPY).

The authoritative reference and input builder live on the scoring server;
editing this copy changes nothing except your own understanding.
"""

import jax, jax.numpy as jnp
import numpy as np

VOCAB_SIZE = 32000

def setup_inputs(seed: int = 0) -> dict:
    key = jax.random.key(seed)
    input_ids = jax.random.randint(key, (32, 32), 0, VOCAB_SIZE, dtype=jnp.int64)
    return {"input_ids": input_ids}

def reference(input_ids):
    B, S = input_ids.shape
    V = VOCAB_SIZE
    logits = jnp.full((B, S, V), -20.0, dtype=jnp.float32)
    next_ids = (input_ids + 1) % V
    b_idx = jnp.arange(B)[:, None]
    s_idx = jnp.arange(S)[None, :]
    logits = logits.at[b_idx, s_idx, next_ids].set(20.0)
    return logits

if __name__ == "__main__":
    import jax
    _d = setup_inputs()
    print(jax.jit(kernel)(*tuple(_d.values())))

</pallas_src>

<mosaic_0001>
#map = affine_map<(d0, d1) -> (0)>
module attributes {stable_mosaic.version = 14 : i64} {
  func.func @_sc_body(%arg0: i32, %arg1: i32, %arg2: memref<1024xi32, #tpu.memory_space<hbm>>, %arg3: memref<32768000xf32, #tpu.memory_space<hbm>>, %arg4: memref<32xi32, #tpu.memory_space<vmem>>, %arg5: memref<32000xf32, #tpu.memory_space<vmem>>, %arg6: memref<32xi32, #tpu.memory_space<vmem>>, %arg7: memref<32xf32, #tpu.memory_space<vmem>>, %arg8: memref<!tpu.dma_semaphore, #tpu.memory_space<semaphore_mem>>, %arg9: memref<!tpu.dma_semaphore, #tpu.memory_space<semaphore_mem>>) attributes {dimension_semantics = [#tpu.dimension_semantics<core_parallel>, #tpu.dimension_semantics<subcore_parallel>], iteration_bounds = array<i64: 2, 16>, scalar_prefetch = 0 : i64, scratch_operands = 6 : i64, tpu.core_type = #tpu.core_type<sc_vector_subcore>, window_params = [{transform_indices = #map}, {transform_indices = #map}]} {
    %mul3A = arith.constant 2 : i32
    %mul3A_0 = arith.muli %arg1, %mul3A : i32
    %add3A = arith.addi %mul3A_0, %arg0 : i32
    %mul3A_1 = arith.constant 32 : i32
    %mul3A_2 = arith.muli %add3A, %mul3A_1 : i32
    "tpu.region"() ({
      %run_scoped3A = tpu.sem_alloc : memref<!tpu.dma_semaphore, #tpu.memory_space<semaphore_mem>>
      %dma_start3A_435 = tpu.memref_slice %arg2[%mul3A_2] : memref<1024xi32, #tpu.memory_space<hbm>> -> memref<32xi32, #tpu.memory_space<hbm>>
      %dma_start3A_436 = tpu.memref_slice %arg2[%mul3A_2] : memref<1024xi32, #tpu.memory_space<hbm>> -> memref<32xi32, #tpu.memory_space<hbm>>
      tpu.enqueue_dma source(%dma_start3A_436 : memref<32xi32, #tpu.memory_space<hbm>>) target(%arg4 : memref<32xi32, #tpu.memory_space<vmem>>) target_semaphore(%run_scoped3A : memref<!tpu.dma_semaphore, #tpu.memory_space<semaphore_mem>>)
      %dma_wait3A_437 = tpu.memref_slice %arg2[%mul3A_2] : memref<1024xi32, #tpu.memory_space<hbm>> -> memref<32xi32, #tpu.memory_space<hbm>>
      %dma_wait3A_438 = tpu.memref_slice %arg2[%mul3A_2] : memref<1024xi32, #tpu.memory_space<hbm>> -> memref<32xi32, #tpu.memory_space<hbm>>
      tpu.wait_dma2 semaphore(%run_scoped3A : memref<!tpu.dma_semaphore, #tpu.memory_space<semaphore_mem>>) src(%dma_wait3A_438 : memref<32xi32, #tpu.memory_space<hbm>>) dst(%arg4 : memref<32xi32, #tpu.memory_space<vmem>>)
      tpu.yield
    }) : () -> ()
    %broadcast_in_dim3A = arith.constant -2.000000e+01 : f32
    %broadcast_in_dim3A_3 = vector.broadcast %broadcast_in_dim3A : f32 to vector<16xf32>
    %scan3A = arith.constant 0 : i32
    %scan3A_4 = arith.constant 0 : i32
    %scan3A_5 = arith.constant 2000 : i32
    %scan3A_6 = arith.addi %scan3A_4, %scan3A_5 : i32
    %scan3A_7 = arith.constant 1 : i32
    %scan3A_8 = scf.for %scan3A_435 = %scan3A_4 to %scan3A_6 step %scan3A_7 iter_args(%scan3A_436 = %scan3A) -> (i32)  : i32 {
      %mul3A_437 = arith.constant 16 : i32
      %mul3A_438 = arith.muli %scan3A_435, %mul3A_437 : i32
      %swap3A_439 = arith.index_cast %mul3A_438 : i32 to index
      %swap3A_440 = tpu.vector_load %arg5[%swap3A_439] {strides = array<i32>} : memref<32000xf32, #tpu.memory_space<vmem>>, vector<16xf32>,
      tpu.vector_store %arg5[%swap3A_439], %broadcast_in_dim3A_3 {strides = array<i32>} : memref<32000xf32, #tpu.memory_space<vmem>>, vector<16xf32>,
      %scan3A_441 = arith.constant 0 : i32
      scf.yield %scan3A_441 : i32
    }
    %scan3A_9 = arith.constant 2000 : i32
    %add3A_10 = arith.constant 0 : i32
    %add3A_11 = arith.addi %mul3A_2, %add3A_10 : i32
    %mul3A_12 = arith.constant 32000 : i32
    %mul3A_13 = arith.muli %add3A_11, %mul3A_12 : i32
    %dma_start3A = tpu.memref_slice %arg3[%mul3A_13] : memref<32768000xf32, #tpu.memory_space<hbm>> -> memref<32000xf32, #tpu.memory_space<hbm>>
    %dma_start3A_14 = tpu.memref_slice %arg3[%mul3A_13] : memref<32768000xf32, #tpu.memory_space<hbm>> -> memref<32000xf32, #tpu.memory_space<hbm>>
    tpu.enqueue_dma source(%arg5 : memref<32000xf32, #tpu.memory_space<vmem>>) target(%dma_start3A_14 : memref<32000xf32, #tpu.memory_space<hbm>>) target_semaphore(%arg8 : memref<!tpu.dma_semaphore, #tpu.memory_space<semaphore_mem>>)
    %add3A_15 = arith.constant 1 : i32
    %add3A_16 = arith.addi %mul3A_2, %add3A_15 : i32
    %mul3A_17 = arith.constant 32000 : i32
    %mul3A_18 = arith.muli %add3A_16, %mul3A_17 : i32
    %dma_start3A_19 = tpu.memref_slice %arg3[%mul3A_18] : memref<32768000xf32, #tpu.memory_space<hbm>> -> memref<32000xf32, #tpu.memory_space<hbm>>
    %dma_start3A_20 = tpu.memref_slice %arg3[%mul3A_18] : memref<32768000xf32, #tpu.memory_space<hbm>> -> memref<32000xf32, #tpu.memory_space<hbm>>
    tpu.enqueue_dma source(%arg5 : memref<32000xf32, #tpu.memory_space<vmem>>) target(%dma_start3A_20 : memref<32000xf32, #tpu.memory_space<hbm>>) target_semaphore(%arg8 : memref<!tpu.dma_semaphore, #tpu.memory_space<semaphore_mem>>)
    %add3A_21 = arith.constant 2 : i32
    %add3A_22 = arith.addi %mul3A_2, %add3A_21 : i32
    %mul3A_23 = arith.constant 32000 : i32
    %mul3A_24 = arith.muli %add3A_22, %mul3A_23 : i32
    %dma_start3A_25 = tpu.memref_slice %arg3[%mul3A_24] : memref<32768000xf32, #tpu.memory_space<hbm>> -> memref<32000xf32, #tpu.memory_space<hbm>>
    %dma_start3A_26 = tpu.memref_slice %arg3[%mul3A_24] : memref<32768000xf32, #tpu.memory_space<hbm>> -> memref<32000xf32, #tpu.memory_space<hbm>>
    tpu.enqueue_dma source(%arg5 : memref<32000xf32, #tpu.memory_space<vmem>>) target(%dma_start3A_26 : memref<32000xf32, #tpu.memory_space<hbm>>) target_semaphore(%arg8 : memref<!tpu.dma_semaphore, #tpu.memory_space<semaphore_mem>>)
    %add3A_27 = arith.constant 3 : i32
    %add3A_28 = arith.addi %mul3A_2, %add3A_27 : i32
    %mul3A_29 = arith.constant 32000 : i32
    %mul3A_30 = arith.muli %add3A_28, %mul3A_29 : i32
    %dma_start3A_31 = tpu.memref_slice %arg3[%mul3A_30] : memref<32768000xf32, #tpu.memory_space<hbm>> -> memref<32000xf32, #tpu.memory_space<hbm>>
    %dma_start3A_32 = tpu.memref_slice %arg3[%mul3A_30] : memref<32768000xf32, #tpu.memory_space<hbm>> -> memref<32000xf32, #tpu.memory_space<hbm>>
    tpu.enqueue_dma source(%arg5 : memref<32000xf32, #tpu.memory_space<vmem>>) target(%dma_start3A_32 : memref<32000xf32, #tpu.memory_space<hbm>>) target_semaphore(%arg8 : memref<!tpu.dma_semaphore, #tpu.memory_space<semaphore_mem>>)
    %add3A_33 = arith.constant 4 : i32
    %add3A_34 = arith.addi %mul3A_2, %add3A_33 : i32
    %mul3A_35 = arith.constant 32000 : i32
    %mul3A_36 = arith.muli %add3A_34, %mul3A_35 : i32
    %dma_start3A_37 = tpu.memref_slice %arg3[%mul3A_36] : memref<32768000xf32, #tpu.memory_space<hbm>> -> memref<32000xf32, #tpu.memory_space<hbm>>
    %dma_start3A_38 = tpu.memref_slice %arg3[%mul3A_36] : memref<32768000xf32, #tpu.memory_space<hbm>> -> memref<32000xf32, #tpu.memory_space<hbm>>
    tpu.enqueue_dma source(%arg5 : memref<32000xf32, #tpu.memory_space<vmem>>) target(%dma_start3A_38 : memref<32000xf32, #tpu.memory_space<hbm>>) target_semaphore(%arg8 : memref<!tpu.dma_semaphore, #tpu.memory_space<semaphore_mem>>)
    %add3A_39 = arith.constant 5 : i32
    %add3A_40 = arith.addi %mul3A_2, %add3A_39 : i32
    %mul3A_41 = arith.constant 32000 : i32
    %mul3A_42 = arith.muli %add3A_40, %mul3A_41 : i32
    %dma_start3A_43 = tpu.memref_slice %arg3[%mul3A_42] : memref<32768000xf32, #tpu.memory_space<hbm>> -> memref<32000xf32, #tpu.memory_space<hbm>>
    %dma_start3A_44 = tpu.memref_slice %arg3[%mul3A_42] : memref<32768000xf32, #tpu.memory_space<hbm>> -> memref<32000xf32, #tpu.memory_space<hbm>>
    tpu.enqueue_dma source(%arg5 : memref<32000xf32, #tpu.memory_space<vmem>>) target(%dma_start3A_44 : memref<32000xf32, #tpu.memory_space<hbm>>) target_semaphore(%arg8 : memref<!tpu.dma_semaphore, #tpu.memory_space<semaphore_mem>>)
    %add3A_45 = arith.constant 6 : i32
    %add3A_46 = arith.addi %mul3A_2, %add3A_45 : i32
    %mul3A_47 = arith.constant 32000 : i32
    %mul3A_48 = arith.muli %add3A_46, %mul3A_47 : i32
    %dma_start3A_49 = tpu.memref_slice %arg3[%mul3A_48] : memref<32768000xf32, #tpu.memory_space<hbm>> -> memref<32000xf32, #tpu.memory_space<hbm>>
    %dma_start3A_50 = tpu.memref_slice %arg3[%mul3A_48] : memref<32768000xf32, #tpu.memory_space<hbm>> -> memref<32000xf32, #tpu.memory_space<hbm>>
    tpu.enqueue_dma source(%arg5 : memref<32000xf32, #tpu.memory_space<vmem>>) target(%dma_start3A_50 : memref<32000xf32, #tpu.memory_space<hbm>>) target_semaphore(%arg8 : memref<!tpu.dma_semaphore, #tpu.memory_space<semaphore_mem>>)
    %add3A_51 = arith.constant 7 : i32
    %add3A_52 = arith.addi %mul3A_2, %add3A_51 : i32
    %mul3A_53 = arith.constant 32000 : i32
    %mul3A_54 = arith.muli %add3A_52, %mul3A_53 : i32
    %dma_start3A_55 = tpu.memref_slice %arg3[%mul3A_54] : memref<32768000xf32, #tpu.memory_space<hbm>> -> memref<32000xf32, #tpu.memory_space<hbm>>
    %dma_start3A_56 = tpu.memref_slice %arg3[%mul3A_54] : memref<32768000xf32, #tpu.memory_space<hbm>> -> memref<32000xf32, #tpu.memory_space<hbm>>
    tpu.enqueue_dma source(%arg5 : memref<32000xf32, #tpu.memory_space<vmem>>) target(%dma_start3A_56 : memref<32000xf32, #tpu.memory_space<hbm>>) target_semaphore(%arg8 : memref<!tpu.dma_semaphore, #tpu.memory_space<semaphore_mem>>)
    %add3A_57 = arith.constant 8 : i32
    %add3A_58 = arith.addi %mul3A_2, %add3A_57 : i32
    %mul3A_59 = arith.constant 32000 : i32
    %mul3A_60 = arith.muli %add3A_58, %mul3A_59 : i32
    %dma_start3A_61 = tpu.memref_slice %arg3[%mul3A_60] : memref<32768000xf32, #tpu.memory_space<hbm>> -> memref<32000xf32, #tpu.memory_space<hbm>>
    %dma_start3A_62 = tpu.memref_slice %arg3[%mul3A_60] : memref<32768000xf32, #tpu.memory_space<hbm>> -> memref<32000xf32, #tpu.memory_space<hbm>>
    tpu.enqueue_dma source(%arg5 : memref<32000xf32, #tpu.memory_space<vmem>>) target(%dma_start3A_62 : memref<32000xf32, #tpu.memory_space<hbm>>) target_semaphore(%arg8 : memref<!tpu.dma_semaphore, #tpu.memory_space<semaphore_mem>>)
    %add3A_63 = arith.constant 9 : i32
    %add3A_64 = arith.addi %mul3A_2, %add3A_63 : i32
    %mul3A_65 = arith.constant 32000 : i32
    %mul3A_66 = arith.muli %add3A_64, %mul3A_65 : i32
    %dma_start3A_67 = tpu.memref_slice %arg3[%mul3A_66] : memref<32768000xf32, #tpu.memory_space<hbm>> -> memref<32000xf32, #tpu.memory_space<hbm>>
    %dma_start3A_68 = tpu.memref_slice %arg3[%mul3A_66] : memref<32768000xf32, #tpu.memory_space<hbm>> -> memref<32000xf32, #tpu.memory_space<hbm>>
    tpu.enqueue_dma source(%arg5 : memref<32000xf32, #tpu.memory_space<vmem>>) target(%dma_start3A_68 : memref<32000xf32, #tpu.memory_space<hbm>>) target_semaphore(%arg8 : memref<!tpu.dma_semaphore, #tpu.memory_space<semaphore_mem>>)
    %add3A_69 = arith.constant 10 : i32
    %add3A_70 = arith.addi %mul3A_2, %add3A_69 : i32
    %mul3A_71 = arith.constant 32000 : i32
    %mul3A_72 = arith.muli %add3A_70, %mul3A_71 : i32
    %dma_start3A_73 = tpu.memref_slice %arg3[%mul3A_72] : memref<32768000xf32, #tpu.memory_space<hbm>> -> memref<32000xf32, #tpu.memory_space<hbm>>
    %dma_start3A_74 = tpu.memref_slice %arg3[%mul3A_72] : memref<32768000xf32, #tpu.memory_space<hbm>> -> memref<32000xf32, #tpu.memory_space<hbm>>
    tpu.enqueue_dma source(%arg5 : memref<32000xf32, #tpu.memory_space<vmem>>) target(%dma_start3A_74 : memref<32000xf32, #tpu.memory_space<hbm>>) target_semaphore(%arg8 : memref<!tpu.dma_semaphore, #tpu.memory_space<semaphore_mem>>)
    %add3A_75 = arith.constant 11 : i32
    %add3A_76 = arith.addi %mul3A_2, %add3A_75 : i32
    %mul3A_77 = arith.constant 32000 : i32
    %mul3A_78 = arith.muli %add3A_76, %mul3A_77 : i32
    %dma_start3A_79 = tpu.memref_slice %arg3[%mul3A_78] : memref<32768000xf32, #tpu.memory_space<hbm>> -> memref<32000xf32, #tpu.memory_space<hbm>>
    %dma_start3A_80 = tpu.memref_slice %arg3[%mul3A_78] : memref<32768000xf32, #tpu.memory_space<hbm>> -> memref<32000xf32, #tpu.memory_space<hbm>>
    tpu.enqueue_dma source(%arg5 : memref<32000xf32, #tpu.memory_space<vmem>>) target(%dma_start3A_80 : memref<32000xf32, #tpu.memory_space<hbm>>) target_semaphore(%arg8 : memref<!tpu.dma_semaphore, #tpu.memory_space<semaphore_mem>>)
    %add3A_81 = arith.constant 12 : i32
    %add3A_82 = arith.addi %mul3A_2, %add3A_81 : i32
    %mul3A_83 = arith.constant 32000 : i32
    %mul3A_84 = arith.muli %add3A_82, %mul3A_83 : i32
    %dma_start3A_85 = tpu.memref_slice %arg3[%mul3A_84] : memref<32768000xf32, #tpu.memory_space<hbm>> -> memref<32000xf32, #tpu.memory_space<hbm>>
    %dma_start3A_86 = tpu.memref_slice %arg3[%mul3A_84] : memref<32768000xf32, #tpu.memory_space<hbm>> -> memref<32000xf32, #tpu.memory_space<hbm>>
    tpu.enqueue_dma source(%arg5 : memref<32000xf32, #tpu.memory_space<vmem>>) target(%dma_start3A_86 : memref<32000xf32, #tpu.memory_space<hbm>>) target_semaphore(%arg8 : memref<!tpu.dma_semaphore, #tpu.memory_space<semaphore_mem>>)
    %add3A_87 = arith.constant 13 : i32
    %add3A_88 = arith.addi %mul3A_2, %add3A_87 : i32
    %mul3A_89 = arith.constant 32000 : i32
    %mul3A_90 = arith.muli %add3A_88, %mul3A_89 : i32
    %dma_start3A_91 = tpu.memref_slice %arg3[%mul3A_90] : memref<32768000xf32, #tpu.memory_space<hbm>> -> memref<32000xf32, #tpu.memory_space<hbm>>
    %dma_start3A_92 = tpu.memref_slice %arg3[%mul3A_90] : memref<32768000xf32, #tpu.memory_space<hbm>> -> memref<32000xf32, #tpu.memory_space<hbm>>
    tpu.enqueue_dma source(%arg5 : memref<32000xf32, #tpu.memory_space<vmem>>) target(%dma_start3A_92 : memref<32000xf32, #tpu.memory_space<hbm>>) target_semaphore(%arg8 : memref<!tpu.dma_semaphore, #tpu.memory_space<semaphore_mem>>)
    %add3A_93 = arith.constant 14 : i32
    %add3A_94 = arith.addi %mul3A_2, %add3A_93 : i32
    %mul3A_95 = arith.constant 32000 : i32
    %mul3A_96 = arith.muli %add3A_94, %mul3A_95 : i32
    %dma_start3A_97 = tpu.memref_slice %arg3[%mul3A_96] : memref<32768000xf32, #tpu.memory_space<hbm>> -> memref<32000xf32, #tpu.memory_space<hbm>>
    %dma_start3A_98 = tpu.memref_slice %arg3[%mul3A_96] : memref<32768000xf32, #tpu.memory_space<hbm>> -> memref<32000xf32, #tpu.memory_space<hbm>>
    tpu.enqueue_dma source(%arg5 : memref<32000xf32, #tpu.memory_space<vmem>>) target(%dma_start3A_98 : memref<32000xf32, #tpu.memory_space<hbm>>) target_semaphore(%arg8 : memref<!tpu.dma_semaphore, #tpu.memory_space<semaphore_mem>>)
    %add3A_99 = arith.constant 15 : i32
    %add3A_100 = arith.addi %mul3A_2, %add3A_99 : i32
    %mul3A_101 = arith.constant 32000 : i32
    %mul3A_102 = arith.muli %add3A_100, %mul3A_101 : i32
    %dma_start3A_103 = tpu.memref_slice %arg3[%mul3A_102] : memref<32768000xf32, #tpu.memory_space<hbm>> -> memref<32000xf32, #tpu.memory_space<hbm>>
    %dma_start3A_104 = tpu.memref_slice %arg3[%mul3A_102] : memref<32768000xf32, #tpu.memory_space<hbm>> -> memref<32000xf32, #tpu.memory_space<hbm>>
    tpu.enqueue_dma source(%arg5 : memref<32000xf32, #tpu.memory_space<vmem>>) target(%dma_start3A_104 : memref<32000xf32, #tpu.memory_space<hbm>>) target_semaphore(%arg8 : memref<!tpu.dma_semaphore, #tpu.memory_space<semaphore_mem>>)
    %add3A_105 = arith.constant 16 : i32
    %add3A_106 = arith.addi %mul3A_2, %add3A_105 : i32
    %mul3A_107 = arith.constant 32000 : i32
    %mul3A_108 = arith.muli %add3A_106, %mul3A_107 : i32
    %dma_start3A_109 = tpu.memref_slice %arg3[%mul3A_108] : memref<32768000xf32, #tpu.memory_space<hbm>> -> memref<32000xf32, #tpu.memory_space<hbm>>
    %dma_start3A_110 = tpu.memref_slice %arg3[%mul3A_108] : memref<32768000xf32, #tpu.memory_space<hbm>> -> memref<32000xf32, #tpu.memory_space<hbm>>
    tpu.enqueue_dma source(%arg5 : memref<32000xf32, #tpu.memory_space<vmem>>) target(%dma_start3A_110 : memref<32000xf32, #tpu.memory_space<hbm>>) target_semaphore(%arg8 : memref<!tpu.dma_semaphore, #tpu.memory_space<semaphore_mem>>)
    %add3A_111 = arith.constant 17 : i32
    %add3A_112 = arith.addi %mul3A_2, %add3A_111 : i32
    %mul3A_113 = arith.constant 32000 : i32
    %mul3A_114 = arith.muli %add3A_112, %mul3A_113 : i32
    %dma_start3A_115 = tpu.memref_slice %arg3[%mul3A_114] : memref<32768000xf32, #tpu.memory_space<hbm>> -> memref<32000xf32, #tpu.memory_space<hbm>>
    %dma_start3A_116 = tpu.memref_slice %arg3[%mul3A_114] : memref<32768000xf32, #tpu.memory_space<hbm>> -> memref<32000xf32, #tpu.memory_space<hbm>>
    tpu.enqueue_dma source(%arg5 : memref<32000xf32, #tpu.memory_space<vmem>>) target(%dma_start3A_116 : memref<32000xf32, #tpu.memory_space<hbm>>) target_semaphore(%arg8 : memref<!tpu.dma_semaphore, #tpu.memory_space<semaphore_mem>>)
    %add3A_117 = arith.constant 18 : i32
    %add3A_118 = arith.addi %mul3A_2, %add3A_117 : i32
    %mul3A_119 = arith.constant 32000 : i32
    %mul3A_120 = arith.muli %add3A_118, %mul3A_119 : i32
    %dma_start3A_121 = tpu.memref_slice %arg3[%mul3A_120] : memref<32768000xf32, #tpu.memory_space<hbm>> -> memref<32000xf32, #tpu.memory_space<hbm>>
    %dma_start3A_122 = tpu.memref_slice %arg3[%mul3A_120] : memref<32768000xf32, #tpu.memory_space<hbm>> -> memref<32000xf32, #tpu.memory_space<hbm>>
    tpu.enqueue_dma source(%arg5 : memref<32000xf32, #tpu.memory_space<vmem>>) target(%dma_start3A_122 : memref<32000xf32, #tpu.memory_space<hbm>>) target_semaphore(%arg8 : memref<!tpu.dma_semaphore, #tpu.memory_space<semaphore_mem>>)
    %add3A_123 = arith.constant 19 : i32
    %add3A_124 = arith.addi %mul3A_2, %add3A_123 : i32
    %mul3A_125 = arith.constant 32000 : i32
    %mul3A_126 = arith.muli %add3A_124, %mul3A_125 : i32
    %dma_start3A_127 = tpu.memref_slice %arg3[%mul3A_126] : memref<32768000xf32, #tpu.memory_space<hbm>> -> memref<32000xf32, #tpu.memory_space<hbm>>
    %dma_start3A_128 = tpu.memref_slice %arg3[%mul3A_126] : memref<32768000xf32, #tpu.memory_space<hbm>> -> memref<32000xf32, #tpu.memory_space<hbm>>
    tpu.enqueue_dma source(%arg5 : memref<32000xf32, #tpu.memory_space<vmem>>) target(%dma_start3A_128 : memref<32000xf32, #tpu.memory_space<hbm>>) target_semaphore(%arg8 : memref<!tpu.dma_semaphore, #tpu.memory_space<semaphore_mem>>)
    %add3A_129 = arith.constant 20 : i32
    %add3A_130 = arith.addi %mul3A_2, %add3A_129 : i32
    %mul3A_131 = arith.constant 32000 : i32
    %mul3A_132 = arith.muli %add3A_130, %mul3A_131 : i32
    %dma_start3A_133 = tpu.memref_slice %arg3[%mul3A_132] : memref<32768000xf32, #tpu.memory_space<hbm>> -> memref<32000xf32, #tpu.memory_space<hbm>>
    %dma_start3A_134 = tpu.memref_slice %arg3[%mul3A_132] : memref<32768000xf32, #tpu.memory_space<hbm>> -> memref<32000xf32, #tpu.memory_space<hbm>>
    tpu.enqueue_dma source(%arg5 : memref<32000xf32, #tpu.memory_space<vmem>>) target(%dma_start3A_134 : memref<32000xf32, #tpu.memory_space<hbm>>) target_semaphore(%arg8 : memref<!tpu.dma_semaphore, #tpu.memory_space<semaphore_mem>>)
    %add3A_135 = arith.constant 21 : i32
    %add3A_136 = arith.addi %mul3A_2, %add3A_135 : i32
    %mul3A_137 = arith.constant 32000 : i32
    %mul3A_138 = arith.muli %add3A_136, %mul3A_137 : i32
    %dma_start3A_139 = tpu.memref_slice %arg3[%mul3A_138] : memref<32768000xf32, #tpu.memory_space<hbm>> -> memref<32000xf32, #tpu.memory_space<hbm>>
    %dma_start3A_140 = tpu.memref_slice %arg3[%mul3A_138] : memref<32768000xf32, #tpu.memory_space<hbm>> -> memref<32000xf32, #tpu.memory_space<hbm>>
    tpu.enqueue_dma source(%arg5 : memref<32000xf32, #tpu.memory_space<vmem>>) target(%dma_start3A_140 : memref<32000xf32, #tpu.memory_space<hbm>>) target_semaphore(%arg8 : memref<!tpu.dma_semaphore, #tpu.memory_space<semaphore_mem>>)
    %add3A_141 = arith.constant 22 : i32
    %add3A_142 = arith.addi %mul3A_2, %add3A_141 : i32
    %mul3A_143 = arith.constant 32000 : i32
    %mul3A_144 = arith.muli %add3A_142, %mul3A_143 : i32
    %dma_start3A_145 = tpu.memref_slice %arg3[%mul3A_144] : memref<32768000xf32, #tpu.memory_space<hbm>> -> memref<32000xf32, #tpu.memory_space<hbm>>
    %dma_start3A_146 = tpu.memref_slice %arg3[%mul3A_144] : memref<32768000xf32, #tpu.memory_space<hbm>> -> memref<32000xf32, #tpu.memory_space<hbm>>
    tpu.enqueue_dma source(%arg5 : memref<32000xf32, #tpu.memory_space<vmem>>) target(%dma_start3A_146 : memref<32000xf32, #tpu.memory_space<hbm>>) target_semaphore(%arg8 : memref<!tpu.dma_semaphore, #tpu.memory_space<semaphore_mem>>)
    %add3A_147 = arith.constant 23 : i32
    %add3A_148 = arith.addi %mul3A_2, %add3A_147 : i32
    %mul3A_149 = arith.constant 32000 : i32
    %mul3A_150 = arith.muli %add3A_148, %mul3A_149 : i32
    %dma_start3A_151 = tpu.memref_slice %arg3[%mul3A_150] : memref<32768000xf32, #tpu.memory_space<hbm>> -> memref<32000xf32, #tpu.memory_space<hbm>>
    %dma_start3A_152 = tpu.memref_slice %arg3[%mul3A_150] : memref<32768000xf32, #tpu.memory_space<hbm>> -> memref<32000xf32, #tpu.memory_space<hbm>>
    tpu.enqueue_dma source(%arg5 : memref<32000xf32, #tpu.memory_space<vmem>>) target(%dma_start3A_152 : memref<32000xf32, #tpu.memory_space<hbm>>) target_semaphore(%arg8 : memref<!tpu.dma_semaphore, #tpu.memory_space<semaphore_mem>>)
    %add3A_153 = arith.constant 24 : i32
    %add3A_154 = arith.addi %mul3A_2, %add3A_153 : i32
    %mul3A_155 = arith.constant 32000 : i32
    %mul3A_156 = arith.muli %add3A_154, %mul3A_155 : i32
    %dma_start3A_157 = tpu.memref_slice %arg3[%mul3A_156] : memref<32768000xf32, #tpu.memory_space<hbm>> -> memref<32000xf32, #tpu.memory_space<hbm>>
    %dma_start3A_158 = tpu.memref_slice %arg3[%mul3A_156] : memref<32768000xf32, #tpu.memory_space<hbm>> -> memref<32000xf32, #tpu.memory_space<hbm>>
    tpu.enqueue_dma source(%arg5 : memref<32000xf32, #tpu.memory_space<vmem>>) target(%dma_start3A_158 : memref<32000xf32, #tpu.memory_space<hbm>>) target_semaphore(%arg8 : memref<!tpu.dma_semaphore, #tpu.memory_space<semaphore_mem>>)
    %add3A_159 = arith.constant 25 : i32
    %add3A_160 = arith.addi %mul3A_2, %add3A_159 : i32
    %mul3A_161 = arith.constant 32000 : i32
    %mul3A_162 = arith.muli %add3A_160, %mul3A_161 : i32
    %dma_start3A_163 = tpu.memref_slice %arg3[%mul3A_162] : memref<32768000xf32, #tpu.memory_space<hbm>> -> memref<32000xf32, #tpu.memory_space<hbm>>
    %dma_start3A_164 = tpu.memref_slice %arg3[%mul3A_162] : memref<32768000xf32, #tpu.memory_space<hbm>> -> memref<32000xf32, #tpu.memory_space<hbm>>
    tpu.enqueue_dma source(%arg5 : memref<32000xf32, #tpu.memory_space<vmem>>) target(%dma_start3A_164 : memref<32000xf32, #tpu.memory_space<hbm>>) target_semaphore(%arg8 : memref<!tpu.dma_semaphore, #tpu.memory_space<semaphore_mem>>)
    %add3A_165 = arith.constant 26 : i32
    %add3A_166 = arith.addi %mul3A_2, %add3A_165 : i32
    %mul3A_167 = arith.constant 32000 : i32
    %mul3A_168 = arith.muli %add3A_166, %mul3A_167 : i32
    %dma_start3A_169 = tpu.memref_slice %arg3[%mul3A_168] : memref<32768000xf32, #tpu.memory_space<hbm>> -> memref<32000xf32, #tpu.memory_space<hbm>>
    %dma_start3A_170 = tpu.memref_slice %arg3[%mul3A_168] : memref<32768000xf32, #tpu.memory_space<hbm>> -> memref<32000xf32, #tpu.memory_space<hbm>>
    tpu.enqueue_dma source(%arg5 : memref<32000xf32, #tpu.memory_space<vmem>>) target(%dma_start3A_170 : memref<32000xf32, #tpu.memory_space<hbm>>) target_semaphore(%arg8 : memref<!tpu.dma_semaphore, #tpu.memory_space<semaphore_mem>>)
    %add3A_171 = arith.constant 27 : i32
    %add3A_172 = arith.addi %mul3A_2, %add3A_171 : i32
    %mul3A_173 = arith.constant 32000 : i32
    %mul3A_174 = arith.muli %add3A_172, %mul3A_173 : i32
    %dma_start3A_175 = tpu.memref_slice %arg3[%mul3A_174] : memref<32768000xf32, #tpu.memory_space<hbm>> -> memref<32000xf32, #tpu.memory_space<hbm>>
    %dma_start3A_176 = tpu.memref_slice %arg3[%mul3A_174] : memref<32768000xf32, #tpu.memory_space<hbm>> -> memref<32000xf32, #tpu.memory_space<hbm>>
    tpu.enqueue_dma source(%arg5 : memref<32000xf32, #tpu.memory_space<vmem>>) target(%dma_start3A_176 : memref<32000xf32, #tpu.memory_space<hbm>>) target_semaphore(%arg8 : memref<!tpu.dma_semaphore, #tpu.memory_space<semaphore_mem>>)
    %add3A_177 = arith.constant 28 : i32
    %add3A_178 = arith.addi %mul3A_2, %add3A_177 : i32
    %mul3A_179 = arith.constant 32000 : i32
    %mul3A_180 = arith.muli %add3A_178, %mul3A_179 : i32
    %dma_start3A_181 = tpu.memref_slice %arg3[%mul3A_180] : memref<32768000xf32, #tpu.memory_space<hbm>> -> memref<32000xf32, #tpu.memory_space<hbm>>
    %dma_start3A_182 = tpu.memref_slice %arg3[%mul3A_180] : memref<32768000xf32, #tpu.memory_space<hbm>> -> memref<32000xf32, #tpu.memory_space<hbm>>
    tpu.enqueue_dma source(%arg5 : memref<32000xf32, #tpu.memory_space<vmem>>) target(%dma_start3A_182 : memref<32000xf32, #tpu.memory_space<hbm>>) target_semaphore(%arg8 : memref<!tpu.dma_semaphore, #tpu.memory_space<semaphore_mem>>)
    %add3A_183 = arith.constant 29 : i32
    %add3A_184 = arith.addi %mul3A_2, %add3A_183 : i32
    %mul3A_185 = arith.constant 32000 : i32
    %mul3A_186 = arith.muli %add3A_184, %mul3A_185 : i32
    %dma_start3A_187 = tpu.memref_slice %arg3[%mul3A_186] : memref<32768000xf32, #tpu.memory_space<hbm>> -> memref<32000xf32, #tpu.memory_space<hbm>>
    %dma_start3A_188 = tpu.memref_slice %arg3[%mul3A_186] : memref<32768000xf32, #tpu.memory_space<hbm>> -> memref<32000xf32, #tpu.memory_space<hbm>>
    tpu.enqueue_dma source(%arg5 : memref<32000xf32, #tpu.memory_space<vmem>>) target(%dma_start3A_188 : memref<32000xf32, #tpu.memory_space<hbm>>) target_semaphore(%arg8 : memref<!tpu.dma_semaphore, #tpu.memory_space<semaphore_mem>>)
    %add3A_189 = arith.constant 30 : i32
    %add3A_190 = arith.addi %mul3A_2, %add3A_189 : i32
    %mul3A_191 = arith.constant 32000 : i32
    %mul3A_192 = arith.muli %add3A_190, %mul3A_191 : i32
    %dma_start3A_193 = tpu.memref_slice %arg3[%mul3A_192] : memref<32768000xf32, #tpu.memory_space<hbm>> -> memref<32000xf32, #tpu.memory_space<hbm>>
    %dma_start3A_194 = tpu.memref_slice %arg3[%mul3A_192] : memref<32768000xf32, #tpu.memory_space<hbm>> -> memref<32000xf32, #tpu.memory_space<hbm>>
    tpu.enqueue_dma source(%arg5 : memref<32000xf32, #tpu.memory_space<vmem>>) target(%dma_start3A_194 : memref<32000xf32, #tpu.memory_space<hbm>>) target_semaphore(%arg8 : memref<!tpu.dma_semaphore, #tpu.memory_space<semaphore_mem>>)
    %add3A_195 = arith.constant 31 : i32
    %add3A_196 = arith.addi %mul3A_2, %add3A_195 : i32
    %mul3A_197 = arith.constant 32000 : i32
    %mul3A_198 = arith.muli %add3A_196, %mul3A_197 : i32
    %dma_start3A_199 = tpu.memref_slice %arg3[%mul3A_198] : memref<32768000xf32, #tpu.memory_space<hbm>> -> memref<32000xf32, #tpu.memory_space<hbm>>
    %dma_start3A_200 = tpu.memref_slice %arg3[%mul3A_198] : memref<32768000xf32, #tpu.memory_space<hbm>> -> memref<32000xf32, #tpu.memory_space<hbm>>
    tpu.enqueue_dma source(%arg5 : memref<32000xf32, #tpu.memory_space<vmem>>) target(%dma_start3A_200 : memref<32000xf32, #tpu.memory_space<hbm>>) target_semaphore(%arg8 : memref<!tpu.dma_semaphore, #tpu.memory_space<semaphore_mem>>)
    %iota3A = tpu.iota {dimensions = array<i32: 0>} : vector<16xi32>
    %broadcast_in_dim3A_201 = arith.constant 2.000000e+01 : f32
    %broadcast_in_dim3A_202 = vector.broadcast %broadcast_in_dim3A_201 : f32 to vector<16xf32>
    %get3A = arith.constant 0 : index
    %get3A_203 = tpu.vector_load %arg4[%get3A] {strides = array<i32>} : memref<32xi32, #tpu.memory_space<vmem>>, vector<16xi32>,
    %add3A_204 = arith.constant 1 : i32
    %add3A_205 = vector.broadcast %add3A_204 : i32 to vector<16xi32>
    %add3A_206 = arith.addi %get3A_203, %add3A_205 : vector<16xi32>
    %rem3A = arith.constant 32000 : i32
    %rem3A_207 = vector.broadcast %rem3A : i32 to vector<16xi32>
    %rem3A_208 = arith.remsi %add3A_206, %rem3A_207 : vector<16xi32>
    %add3A_209 = arith.constant 0 : i32
    %add3A_210 = arith.addi %mul3A_2, %add3A_209 : i32
    %add3A_211 = vector.broadcast %add3A_210 : i32 to vector<16xi32>
    %add3A_212 = arith.addi %add3A_211, %iota3A : vector<16xi32>
    %mul3A_213 = arith.constant 32000 : i32
    %mul3A_214 = vector.broadcast %mul3A_213 : i32 to vector<16xi32>
    %mul3A_215 = arith.muli %add3A_212, %mul3A_214 : vector<16xi32>
    %add3A_216 = arith.addi %mul3A_215, %rem3A_208 : vector<16xi32>
    %swap3A = arith.constant 0 : index
    %swap3A_217 = tpu.vector_load %arg6[%swap3A] {strides = array<i32>} : memref<32xi32, #tpu.memory_space<vmem>>, vector<16xi32>,
    tpu.vector_store %arg6[%swap3A], %add3A_216 {strides = array<i32>} : memref<32xi32, #tpu.memory_space<vmem>>, vector<16xi32>,
    %swap3A_218 = arith.constant 0 : index
    %swap3A_219 = tpu.vector_load %arg7[%swap3A_218] {strides = array<i32>} : memref<32xf32, #tpu.memory_space<vmem>>, vector<16xf32>,
    tpu.vector_store %arg7[%swap3A_218], %broadcast_in_dim3A_202 {strides = array<i32>} : memref<32xf32, #tpu.memory_space<vmem>>, vector<16xf32>,
    %get3A_220 = arith.constant 16 : index
    %get3A_221 = tpu.vector_load %arg4[%get3A_220] {strides = array<i32>} : memref<32xi32, #tpu.memory_space<vmem>>, vector<16xi32>,
    %add3A_222 = arith.constant 1 : i32
    %add3A_223 = vector.broadcast %add3A_222 : i32 to vector<16xi32>
    %add3A_224 = arith.addi %get3A_221, %add3A_223 : vector<16xi32>
    %rem3A_225 = arith.constant 32000 : i32
    %rem3A_226 = vector.broadcast %rem3A_225 : i32 to vector<16xi32>
    %rem3A_227 = arith.remsi %add3A_224, %rem3A_226 : vector<16xi32>
    %add3A_228 = arith.constant 16 : i32
    %add3A_229 = arith.addi %mul3A_2, %add3A_228 : i32
    %add3A_230 = vector.broadcast %add3A_229 : i32 to vector<16xi32>
    %add3A_231 = arith.addi %add3A_230, %iota3A : vector<16xi32>
    %mul3A_232 = arith.constant 32000 : i32
    %mul3A_233 = vector.broadcast %mul3A_232 : i32 to vector<16xi32>
    %mul3A_234 = arith.muli %add3A_231, %mul3A_233 : vector<16xi32>
    %add3A_235 = arith.addi %mul3A_234, %rem3A_227 : vector<16xi32>
    %swap3A_236 = arith.constant 16 : index
    %swap3A_237 = tpu.vector_load %arg6[%swap3A_236] {strides = array<i32>} : memref<32xi32, #tpu.memory_space<vmem>>, vector<16xi32>,
    tpu.vector_store %arg6[%swap3A_236], %add3A_235 {strides = array<i32>} : memref<32xi32, #tpu.memory_space<vmem>>, vector<16xi32>,
    %swap3A_238 = arith.constant 16 : index
    %swap3A_239 = tpu.vector_load %arg7[%swap3A_238] {strides = array<i32>} : memref<32xf32, #tpu.memory_space<vmem>>, vector<16xf32>,
    tpu.vector_store %arg7[%swap3A_238], %broadcast_in_dim3A_202 {strides = array<i32>} : memref<32xf32, #tpu.memory_space<vmem>>, vector<16xf32>,
    %add3A_240 = arith.constant 0 : i32
    %add3A_241 = arith.addi %mul3A_2, %add3A_240 : i32
    %mul3A_242 = arith.constant 32000 : i32
    %mul3A_243 = arith.muli %add3A_241, %mul3A_242 : i32
    %dma_wait3A = tpu.memref_slice %arg3[%mul3A_243] : memref<32768000xf32, #tpu.memory_space<hbm>> -> memref<32000xf32, #tpu.memory_space<hbm>>
    %dma_wait3A_244 = tpu.memref_slice %arg3[%mul3A_243] : memref<32768000xf32, #tpu.memory_space<hbm>> -> memref<32000xf32, #tpu.memory_space<hbm>>
    tpu.wait_dma2 semaphore(%arg8 : memref<!tpu.dma_semaphore, #tpu.memory_space<semaphore_mem>>) src(%arg5 : memref<32000xf32, #tpu.memory_space<vmem>>) dst(%dma_wait3A_244 : memref<32000xf32, #tpu.memory_space<hbm>>)
    %add3A_245 = arith.constant 1 : i32
    %add3A_246 = arith.addi %mul3A_2, %add3A_245 : i32
    %mul3A_247 = arith.constant 32000 : i32
    %mul3A_248 = arith.muli %add3A_246, %mul3A_247 : i32
    %dma_wait3A_249 = tpu.memref_slice %arg3[%mul3A_248] : memref<32768000xf32, #tpu.memory_space<hbm>> -> memref<32000xf32, #tpu.memory_space<hbm>>
    %dma_wait3A_250 = tpu.memref_slice %arg3[%mul3A_248] : memref<32768000xf32, #tpu.memory_space<hbm>> -> memref<32000xf32, #tpu.memory_space<hbm>>
    tpu.wait_dma2 semaphore(%arg8 : memref<!tpu.dma_semaphore, #tpu.memory_space<semaphore_mem>>) src(%arg5 : memref<32000xf32, #tpu.memory_space<vmem>>) dst(%dma_wait3A_250 : memref<32000xf32, #tpu.memory_space<hbm>>)
    %add3A_251 = arith.constant 2 : i32
    %add3A_252 = arith.addi %mul3A_2, %add3A_251 : i32
    %mul3A_253 = arith.constant 32000 : i32
    %mul3A_254 = arith.muli %add3A_252, %mul3A_253 : i32
    %dma_wait3A_255 = tpu.memref_slice %arg3[%mul3A_254] : memref<32768000xf32, #tpu.memory_space<hbm>> -> memref<32000xf32, #tpu.memory_space<hbm>>
    %dma_wait3A_256 = tpu.memref_slice %arg3[%mul3A_254] : memref<32768000xf32, #tpu.memory_space<hbm>> -> memref<32000xf32, #tpu.memory_space<hbm>>
    tpu.wait_dma2 semaphore(%arg8 : memref<!tpu.dma_semaphore, #tpu.memory_space<semaphore_mem>>) src(%arg5 : memref<32000xf32, #tpu.memory_space<vmem>>) dst(%dma_wait3A_256 : memref<32000xf32, #tpu.memory_space<hbm>>)
    %add3A_257 = arith.constant 3 : i32
    %add3A_258 = arith.addi %mul3A_2, %add3A_257 : i32
    %mul3A_259 = arith.constant 32000 : i32
    %mul3A_260 = arith.muli %add3A_258, %mul3A_259 : i32
    %dma_wait3A_261 = tpu.memref_slice %arg3[%mul3A_260] : memref<32768000xf32, #tpu.memory_space<hbm>> -> memref<32000xf32, #tpu.memory_space<hbm>>
    %dma_wait3A_262 = tpu.memref_slice %arg3[%mul3A_260] : memref<32768000xf32, #tpu.memory_space<hbm>> -> memref<32000xf32, #tpu.memory_space<hbm>>
    tpu.wait_dma2 semaphore(%arg8 : memref<!tpu.dma_semaphore, #tpu.memory_space<semaphore_mem>>) src(%arg5 : memref<32000xf32, #tpu.memory_space<vmem>>) dst(%dma_wait3A_262 : memref<32000xf32, #tpu.memory_space<hbm>>)
    %add3A_263 = arith.constant 4 : i32
    %add3A_264 = arith.addi %mul3A_2, %add3A_263 : i32
    %mul3A_265 = arith.constant 32000 : i32
    %mul3A_266 = arith.muli %add3A_264, %mul3A_265 : i32
    %dma_wait3A_267 = tpu.memref_slice %arg3[%mul3A_266] : memref<32768000xf32, #tpu.memory_space<hbm>> -> memref<32000xf32, #tpu.memory_space<hbm>>
    %dma_wait3A_268 = tpu.memref_slice %arg3[%mul3A_266] : memref<32768000xf32, #tpu.memory_space<hbm>> -> memref<32000xf32, #tpu.memory_space<hbm>>
    tpu.wait_dma2 semaphore(%arg8 : memref<!tpu.dma_semaphore, #tpu.memory_space<semaphore_mem>>) src(%arg5 : memref<32000xf32, #tpu.memory_space<vmem>>) dst(%dma_wait3A_268 : memref<32000xf32, #tpu.memory_space<hbm>>)
    %add3A_269 = arith.constant 5 : i32
    %add3A_270 = arith.addi %mul3A_2, %add3A_269 : i32
    %mul3A_271 = arith.constant 32000 : i32
    %mul3A_272 = arith.muli %add3A_270, %mul3A_271 : i32
    %dma_wait3A_273 = tpu.memref_slice %arg3[%mul3A_272] : memref<32768000xf32, #tpu.memory_space<hbm>> -> memref<32000xf32, #tpu.memory_space<hbm>>
    %dma_wait3A_274 = tpu.memref_slice %arg3[%mul3A_272] : memref<32768000xf32, #tpu.memory_space<hbm>> -> memref<32000xf32, #tpu.memory_space<hbm>>
    tpu.wait_dma2 semaphore(%arg8 : memref<!tpu.dma_semaphore, #tpu.memory_space<semaphore_mem>>) src(%arg5 : memref<32000xf32, #tpu.memory_space<vmem>>) dst(%dma_wait3A_274 : memref<32000xf32, #tpu.memory_space<hbm>>)
    %add3A_275 = arith.constant 6 : i32
    %add3A_276 = arith.addi %mul3A_2, %add3A_275 : i32
    %mul3A_277 = arith.constant 32000 : i32
    %mul3A_278 = arith.muli %add3A_276, %mul3A_277 : i32
    %dma_wait3A_279 = tpu.memref_slice %arg3[%mul3A_278] : memref<32768000xf32, #tpu.memory_space<hbm>> -> memref<32000xf32, #tpu.memory_space<hbm>>
    %dma_wait3A_280 = tpu.memref_slice %arg3[%mul3A_278] : memref<32768000xf32, #tpu.memory_space<hbm>> -> memref<32000xf32, #tpu.memory_space<hbm>>
    tpu.wait_dma2 semaphore(%arg8 : memref<!tpu.dma_semaphore, #tpu.memory_space<semaphore_mem>>) src(%arg5 : memref<32000xf32, #tpu.memory_space<vmem>>) dst(%dma_wait3A_280 : memref<32000xf32, #tpu.memory_space<hbm>>)
    %add3A_281 = arith.constant 7 : i32
    %add3A_282 = arith.addi %mul3A_2, %add3A_281 : i32
    %mul3A_283 = arith.constant 32000 : i32
    %mul3A_284 = arith.muli %add3A_282, %mul3A_283 : i32
    %dma_wait3A_285 = tpu.memref_slice %arg3[%mul3A_284] : memref<32768000xf32, #tpu.memory_space<hbm>> -> memref<32000xf32, #tpu.memory_space<hbm>>
    %dma_wait3A_286 = tpu.memref_slice %arg3[%mul3A_284] : memref<32768000xf32, #tpu.memory_space<hbm>> -> memref<32000xf32, #tpu.memory_space<hbm>>
    tpu.wait_dma2 semaphore(%arg8 : memref<!tpu.dma_semaphore, #tpu.memory_space<semaphore_mem>>) src(%arg5 : memref<32000xf32, #tpu.memory_space<vmem>>) dst(%dma_wait3A_286 : memref<32000xf32, #tpu.memory_space<hbm>>)
    %add3A_287 = arith.constant 8 : i32
    %add3A_288 = arith.addi %mul3A_2, %add3A_287 : i32
    %mul3A_289 = arith.constant 32000 : i32
    %mul3A_290 = arith.muli %add3A_288, %mul3A_289 : i32
    %dma_wait3A_291 = tpu.memref_slice %arg3[%mul3A_290] : memref<32768000xf32, #tpu.memory_space<hbm>> -> memref<32000xf32, #tpu.memory_space<hbm>>
    %dma_wait3A_292 = tpu.memref_slice %arg3[%mul3A_290] : memref<32768000xf32, #tpu.memory_space<hbm>> -> memref<32000xf32, #tpu.memory_space<hbm>>
    tpu.wait_dma2 semaphore(%arg8 : memref<!tpu.dma_semaphore, #tpu.memory_space<semaphore_mem>>) src(%arg5 : memref<32000xf32, #tpu.memory_space<vmem>>) dst(%dma_wait3A_292 : memref<32000xf32, #tpu.memory_space<hbm>>)
    %add3A_293 = arith.constant 9 : i32
    %add3A_294 = arith.addi %mul3A_2, %add3A_293 : i32
    %mul3A_295 = arith.constant 32000 : i32
    %mul3A_296 = arith.muli %add3A_294, %mul3A_295 : i32
    %dma_wait3A_297 = tpu.memref_slice %arg3[%mul3A_296] : memref<32768000xf32, #tpu.memory_space<hbm>> -> memref<32000xf32, #tpu.memory_space<hbm>>
    %dma_wait3A_298 = tpu.memref_slice %arg3[%mul3A_296] : memref<32768000xf32, #tpu.memory_space<hbm>> -> memref<32000xf32, #tpu.memory_space<hbm>>
    tpu.wait_dma2 semaphore(%arg8 : memref<!tpu.dma_semaphore, #tpu.memory_space<semaphore_mem>>) src(%arg5 : memref<32000xf32, #tpu.memory_space<vmem>>) dst(%dma_wait3A_298 : memref<32000xf32, #tpu.memory_space<hbm>>)
    %add3A_299 = arith.constant 10 : i32
    %add3A_300 = arith.addi %mul3A_2, %add3A_299 : i32
    %mul3A_301 = arith.constant 32000 : i32
    %mul3A_302 = arith.muli %add3A_300, %mul3A_301 : i32
    %dma_wait3A_303 = tpu.memref_slice %arg3[%mul3A_302] : memref<32768000xf32, #tpu.memory_space<hbm>> -> memref<32000xf32, #tpu.memory_space<hbm>>
    %dma_wait3A_304 = tpu.memref_slice %arg3[%mul3A_302] : memref<32768000xf32, #tpu.memory_space<hbm>> -> memref<32000xf32, #tpu.memory_space<hbm>>
    tpu.wait_dma2 semaphore(%arg8 : memref<!tpu.dma_semaphore, #tpu.memory_space<semaphore_mem>>) src(%arg5 : memref<32000xf32, #tpu.memory_space<vmem>>) dst(%dma_wait3A_304 : memref<32000xf32, #tpu.memory_space<hbm>>)
    %add3A_305 = arith.constant 11 : i32
    %add3A_306 = arith.addi %mul3A_2, %add3A_305 : i32
    %mul3A_307 = arith.constant 32000 : i32
    %mul3A_308 = arith.muli %add3A_306, %mul3A_307 : i32
    %dma_wait3A_309 = tpu.memref_slice %arg3[%mul3A_308] : memref<32768000xf32, #tpu.memory_space<hbm>> -> memref<32000xf32, #tpu.memory_space<hbm>>
    %dma_wait3A_310 = tpu.memref_slice %arg3[%mul3A_308] : memref<32768000xf32, #tpu.memory_space<hbm>> -> memref<32000xf32, #tpu.memory_space<hbm>>
    tpu.wait_dma2 semaphore(%arg8 : memref<!tpu.dma_semaphore, #tpu.memory_space<semaphore_mem>>) src(%arg5 : memref<32000xf32, #tpu.memory_space<vmem>>) dst(%dma_wait3A_310 : memref<32000xf32, #tpu.memory_space<hbm>>)
    %add3A_311 = arith.constant 12 : i32
    %add3A_312 = arith.addi %mul3A_2, %add3A_311 : i32
    %mul3A_313 = arith.constant 32000 : i32
    %mul3A_314 = arith.muli %add3A_312, %mul3A_313 : i32
    %dma_wait3A_315 = tpu.memref_slice %arg3[%mul3A_314] : memref<32768000xf32, #tpu.memory_space<hbm>> -> memref<32000xf32, #tpu.memory_space<hbm>>
    %dma_wait3A_316 = tpu.memref_slice %arg3[%mul3A_314] : memref<32768000xf32, #tpu.memory_space<hbm>> -> memref<32000xf32, #tpu.memory_space<hbm>>
    tpu.wait_dma2 semaphore(%arg8 : memref<!tpu.dma_semaphore, #tpu.memory_space<semaphore_mem>>) src(%arg5 : memref<32000xf32, #tpu.memory_space<vmem>>) dst(%dma_wait3A_316 : memref<32000xf32, #tpu.memory_space<hbm>>)
    %add3A_317 = arith.constant 13 : i32
    %add3A_318 = arith.addi %mul3A_2, %add3A_317 : i32
    %mul3A_319 = arith.constant 32000 : i32
    %mul3A_320 = arith.muli %add3A_318, %mul3A_319 : i32
    %dma_wait3A_321 = tpu.memref_slice %arg3[%mul3A_320] : memref<32768000xf32, #tpu.memory_space<hbm>> -> memref<32000xf32, #tpu.memory_space<hbm>>
    %dma_wait3A_322 = tpu.memref_slice %arg3[%mul3A_320] : memref<32768000xf32, #tpu.memory_space<hbm>> -> memref<32000xf32, #tpu.memory_space<hbm>>
    tpu.wait_dma2 semaphore(%arg8 : memref<!tpu.dma_semaphore, #tpu.memory_space<semaphore_mem>>) src(%arg5 : memref<32000xf32, #tpu.memory_space<vmem>>) dst(%dma_wait3A_322 : memref<32000xf32, #tpu.memory_space<hbm>>)
    %add3A_323 = arith.constant 14 : i32
    %add3A_324 = arith.addi %mul3A_2, %add3A_323 : i32
    %mul3A_325 = arith.constant 32000 : i32
    %mul3A_326 = arith.muli %add3A_324, %mul3A_325 : i32
    %dma_wait3A_327 = tpu.memref_slice %arg3[%mul3A_326] : memref<32768000xf32, #tpu.memory_space<hbm>> -> memref<32000xf32, #tpu.memory_space<hbm>>
    %dma_wait3A_328 = tpu.memref_slice %arg3[%mul3A_326] : memref<32768000xf32, #tpu.memory_space<hbm>> -> memref<32000xf32, #tpu.memory_space<hbm>>
    tpu.wait_dma2 semaphore(%arg8 : memref<!tpu.dma_semaphore, #tpu.memory_space<semaphore_mem>>) src(%arg5 : memref<32000xf32, #tpu.memory_space<vmem>>) dst(%dma_wait3A_328 : memref<32000xf32, #tpu.memory_space<hbm>>)
    %add3A_329 = arith.constant 15 : i32
    %add3A_330 = arith.addi %mul3A_2, %add3A_329 : i32
    %mul3A_331 = arith.constant 32000 : i32
    %mul3A_332 = arith.muli %add3A_330, %mul3A_331 : i32
    %dma_wait3A_333 = tpu.memref_slice %arg3[%mul3A_332] : memref<32768000xf32, #tpu.memory_space<hbm>> -> memref<32000xf32, #tpu.memory_space<hbm>>
    %dma_wait3A_334 = tpu.memref_slice %arg3[%mul3A_332] : memref<32768000xf32, #tpu.memory_space<hbm>> -> memref<32000xf32, #tpu.memory_space<hbm>>
    tpu.wait_dma2 semaphore(%arg8 : memref<!tpu.dma_semaphore, #tpu.memory_space<semaphore_mem>>) src(%arg5 : memref<32000xf32, #tpu.memory_space<vmem>>) dst(%dma_wait3A_334 : memref<32000xf32, #tpu.memory_space<hbm>>)
    %add3A_335 = arith.constant 16 : i32
    %add3A_336 = arith.addi %mul3A_2, %add3A_335 : i32
    %mul3A_337 = arith.constant 32000 : i32
    %mul3A_338 = arith.muli %add3A_336, %mul3A_337 : i32
    %dma_wait3A_339 = tpu.memref_slice %arg3[%mul3A_338] : memref<32768000xf32, #tpu.memory_space<hbm>> -> memref<32000xf32, #tpu.memory_space<hbm>>
    %dma_wait3A_340 = tpu.memref_slice %arg3[%mul3A_338] : memref<32768000xf32, #tpu.memory_space<hbm>> -> memref<32000xf32, #tpu.memory_space<hbm>>
    tpu.wait_dma2 semaphore(%arg8 : memref<!tpu.dma_semaphore, #tpu.memory_space<semaphore_mem>>) src(%arg5 : memref<32000xf32, #tpu.memory_space<vmem>>) dst(%dma_wait3A_340 : memref<32000xf32, #tpu.memory_space<hbm>>)
    %add3A_341 = arith.constant 17 : i32
    %add3A_342 = arith.addi %mul3A_2, %add3A_341 : i32
    %mul3A_343 = arith.constant 32000 : i32
    %mul3A_344 = arith.muli %add3A_342, %mul3A_343 : i32
    %dma_wait3A_345 = tpu.memref_slice %arg3[%mul3A_344] : memref<32768000xf32, #tpu.memory_space<hbm>> -> memref<32000xf32, #tpu.memory_space<hbm>>
    %dma_wait3A_346 = tpu.memref_slice %arg3[%mul3A_344] : memref<32768000xf32, #tpu.memory_space<hbm>> -> memref<32000xf32, #tpu.memory_space<hbm>>
    tpu.wait_dma2 semaphore(%arg8 : memref<!tpu.dma_semaphore, #tpu.memory_space<semaphore_mem>>) src(%arg5 : memref<32000xf32, #tpu.memory_space<vmem>>) dst(%dma_wait3A_346 : memref<32000xf32, #tpu.memory_space<hbm>>)
    %add3A_347 = arith.constant 18 : i32
    %add3A_348 = arith.addi %mul3A_2, %add3A_347 : i32
    %mul3A_349 = arith.constant 32000 : i32
    %mul3A_350 = arith.muli %add3A_348, %mul3A_349 : i32
    %dma_wait3A_351 = tpu.memref_slice %arg3[%mul3A_350] : memref<32768000xf32, #tpu.memory_space<hbm>> -> memref<32000xf32, #tpu.memory_space<hbm>>
    %dma_wait3A_352 = tpu.memref_slice %arg3[%mul3A_350] : memref<32768000xf32, #tpu.memory_space<hbm>> -> memref<32000xf32, #tpu.memory_space<hbm>>
    tpu.wait_dma2 semaphore(%arg8 : memref<!tpu.dma_semaphore, #tpu.memory_space<semaphore_mem>>) src(%arg5 : memref<32000xf32, #tpu.memory_space<vmem>>) dst(%dma_wait3A_352 : memref<32000xf32, #tpu.memory_space<hbm>>)
    %add3A_353 = arith.constant 19 : i32
    %add3A_354 = arith.addi %mul3A_2, %add3A_353 : i32
    %mul3A_355 = arith.constant 32000 : i32
    %mul3A_356 = arith.muli %add3A_354, %mul3A_355 : i32
    %dma_wait3A_357 = tpu.memref_slice %arg3[%mul3A_356] : memref<32768000xf32, #tpu.memory_space<hbm>> -> memref<32000xf32, #tpu.memory_space<hbm>>
    %dma_wait3A_358 = tpu.memref_slice %arg3[%mul3A_356] : memref<32768000xf32, #tpu.memory_space<hbm>> -> memref<32000xf32, #tpu.memory_space<hbm>>
    tpu.wait_dma2 semaphore(%arg8 : memref<!tpu.dma_semaphore, #tpu.memory_space<semaphore_mem>>) src(%arg5 : memref<32000xf32, #tpu.memory_space<vmem>>) dst(%dma_wait3A_358 : memref<32000xf32, #tpu.memory_space<hbm>>)
    %add3A_359 = arith.constant 20 : i32
    %add3A_360 = arith.addi %mul3A_2, %add3A_359 : i32
    %mul3A_361 = arith.constant 32000 : i32
    %mul3A_362 = arith.muli %add3A_360, %mul3A_361 : i32
    %dma_wait3A_363 = tpu.memref_slice %arg3[%mul3A_362] : memref<32768000xf32, #tpu.memory_space<hbm>> -> memref<32000xf32, #tpu.memory_space<hbm>>
    %dma_wait3A_364 = tpu.memref_slice %arg3[%mul3A_362] : memref<32768000xf32, #tpu.memory_space<hbm>> -> memref<32000xf32, #tpu.memory_space<hbm>>
    tpu.wait_dma2 semaphore(%arg8 : memref<!tpu.dma_semaphore, #tpu.memory_space<semaphore_mem>>) src(%arg5 : memref<32000xf32, #tpu.memory_space<vmem>>) dst(%dma_wait3A_364 : memref<32000xf32, #tpu.memory_space<hbm>>)
    %add3A_365 = arith.constant 21 : i32
    %add3A_366 = arith.addi %mul3A_2, %add3A_365 : i32
    %mul3A_367 = arith.constant 32000 : i32
    %mul3A_368 = arith.muli %add3A_366, %mul3A_367 : i32
    %dma_wait3A_369 = tpu.memref_slice %arg3[%mul3A_368] : memref<32768000xf32, #tpu.memory_space<hbm>> -> memref<32000xf32, #tpu.memory_space<hbm>>
    %dma_wait3A_370 = tpu.memref_slice %arg3[%mul3A_368] : memref<32768000xf32, #tpu.memory_space<hbm>> -> memref<32000xf32, #tpu.memory_space<hbm>>
    tpu.wait_dma2 semaphore(%arg8 : memref<!tpu.dma_semaphore, #tpu.memory_space<semaphore_mem>>) src(%arg5 : memref<32000xf32, #tpu.memory_space<vmem>>) dst(%dma_wait3A_370 : memref<32000xf32, #tpu.memory_space<hbm>>)
    %add3A_371 = arith.constant 22 : i32
    %add3A_372 = arith.addi %mul3A_2, %add3A_371 : i32
    %mul3A_373 = arith.constant 32000 : i32
    %mul3A_374 = arith.muli %add3A_372, %mul3A_373 : i32
    %dma_wait3A_375 = tpu.memref_slice %arg3[%mul3A_374] : memref<32768000xf32, #tpu.memory_space<hbm>> -> memref<32000xf32, #tpu.memory_space<hbm>>
    %dma_wait3A_376 = tpu.memref_slice %arg3[%mul3A_374] : memref<32768000xf32, #tpu.memory_space<hbm>> -> memref<32000xf32, #tpu.memory_space<hbm>>
    tpu.wait_dma2 semaphore(%arg8 : memref<!tpu.dma_semaphore, #tpu.memory_space<semaphore_mem>>) src(%arg5 : memref<32000xf32, #tpu.memory_space<vmem>>) dst(%dma_wait3A_376 : memref<32000xf32, #tpu.memory_space<hbm>>)
    %add3A_377 = arith.constant 23 : i32
    %add3A_378 = arith.addi %mul3A_2, %add3A_377 : i32
    %mul3A_379 = arith.constant 32000 : i32
    %mul3A_380 = arith.muli %add3A_378, %mul3A_379 : i32
    %dma_wait3A_381 = tpu.memref_slice %arg3[%mul3A_380] : memref<32768000xf32, #tpu.memory_space<hbm>> -> memref<32000xf32, #tpu.memory_space<hbm>>
    %dma_wait3A_382 = tpu.memref_slice %arg3[%mul3A_380] : memref<32768000xf32, #tpu.memory_space<hbm>> -> memref<32000xf32, #tpu.memory_space<hbm>>
    tpu.wait_dma2 semaphore(%arg8 : memref<!tpu.dma_semaphore, #tpu.memory_space<semaphore_mem>>) src(%arg5 : memref<32000xf32, #tpu.memory_space<vmem>>) dst(%dma_wait3A_382 : memref<32000xf32, #tpu.memory_space<hbm>>)
    %add3A_383 = arith.constant 24 : i32
    %add3A_384 = arith.addi %mul3A_2, %add3A_383 : i32
    %mul3A_385 = arith.constant 32000 : i32
    %mul3A_386 = arith.muli %add3A_384, %mul3A_385 : i32
    %dma_wait3A_387 = tpu.memref_slice %arg3[%mul3A_386] : memref<32768000xf32, #tpu.memory_space<hbm>> -> memref<32000xf32, #tpu.memory_space<hbm>>
    %dma_wait3A_388 = tpu.memref_slice %arg3[%mul3A_386] : memref<32768000xf32, #tpu.memory_space<hbm>> -> memref<32000xf32, #tpu.memory_space<hbm>>
    tpu.wait_dma2 semaphore(%arg8 : memref<!tpu.dma_semaphore, #tpu.memory_space<semaphore_mem>>) src(%arg5 : memref<32000xf32, #tpu.memory_space<vmem>>) dst(%dma_wait3A_388 : memref<32000xf32, #tpu.memory_space<hbm>>)
    %add3A_389 = arith.constant 25 : i32
    %add3A_390 = arith.addi %mul3A_2, %add3A_389 : i32
    %mul3A_391 = arith.constant 32000 : i32
    %mul3A_392 = arith.muli %add3A_390, %mul3A_391 : i32
    %dma_wait3A_393 = tpu.memref_slice %arg3[%mul3A_392] : memref<32768000xf32, #tpu.memory_space<hbm>> -> memref<32000xf32, #tpu.memory_space<hbm>>
    %dma_wait3A_394 = tpu.memref_slice %arg3[%mul3A_392] : memref<32768000xf32, #tpu.memory_space<hbm>> -> memref<32000xf32, #tpu.memory_space<hbm>>
    tpu.wait_dma2 semaphore(%arg8 : memref<!tpu.dma_semaphore, #tpu.memory_space<semaphore_mem>>) src(%arg5 : memref<32000xf32, #tpu.memory_space<vmem>>) dst(%dma_wait3A_394 : memref<32000xf32, #tpu.memory_space<hbm>>)
    %add3A_395 = arith.constant 26 : i32
    %add3A_396 = arith.addi %mul3A_2, %add3A_395 : i32
    %mul3A_397 = arith.constant 32000 : i32
    %mul3A_398 = arith.muli %add3A_396, %mul3A_397 : i32
    %dma_wait3A_399 = tpu.memref_slice %arg3[%mul3A_398] : memref<32768000xf32, #tpu.memory_space<hbm>> -> memref<32000xf32, #tpu.memory_space<hbm>>
    %dma_wait3A_400 = tpu.memref_slice %arg3[%mul3A_398] : memref<32768000xf32, #tpu.memory_space<hbm>> -> memref<32000xf32, #tpu.memory_space<hbm>>
    tpu.wait_dma2 semaphore(%arg8 : memref<!tpu.dma_semaphore, #tpu.memory_space<semaphore_mem>>) src(%arg5 : memref<32000xf32, #tpu.memory_space<vmem>>) dst(%dma_wait3A_400 : memref<32000xf32, #tpu.memory_space<hbm>>)
    %add3A_401 = arith.constant 27 : i32
    %add3A_402 = arith.addi %mul3A_2, %add3A_401 : i32
    %mul3A_403 = arith.constant 32000 : i32
    %mul3A_404 = arith.muli %add3A_402, %mul3A_403 : i32
    %dma_wait3A_405 = tpu.memref_slice %arg3[%mul3A_404] : memref<32768000xf32, #tpu.memory_space<hbm>> -> memref<32000xf32, #tpu.memory_space<hbm>>
    %dma_wait3A_406 = tpu.memref_slice %arg3[%mul3A_404] : memref<32768000xf32, #tpu.memory_space<hbm>> -> memref<32000xf32, #tpu.memory_space<hbm>>
    tpu.wait_dma2 semaphore(%arg8 : memref<!tpu.dma_semaphore, #tpu.memory_space<semaphore_mem>>) src(%arg5 : memref<32000xf32, #tpu.memory_space<vmem>>) dst(%dma_wait3A_406 : memref<32000xf32, #tpu.memory_space<hbm>>)
    %add3A_407 = arith.constant 28 : i32
    %add3A_408 = arith.addi %mul3A_2, %add3A_407 : i32
    %mul3A_409 = arith.constant 32000 : i32
    %mul3A_410 = arith.muli %add3A_408, %mul3A_409 : i32
    %dma_wait3A_411 = tpu.memref_slice %arg3[%mul3A_410] : memref<32768000xf32, #tpu.memory_space<hbm>> -> memref<32000xf32, #tpu.memory_space<hbm>>
    %dma_wait3A_412 = tpu.memref_slice %arg3[%mul3A_410] : memref<32768000xf32, #tpu.memory_space<hbm>> -> memref<32000xf32, #tpu.memory_space<hbm>>
    tpu.wait_dma2 semaphore(%arg8 : memref<!tpu.dma_semaphore, #tpu.memory_space<semaphore_mem>>) src(%arg5 : memref<32000xf32, #tpu.memory_space<vmem>>) dst(%dma_wait3A_412 : memref<32000xf32, #tpu.memory_space<hbm>>)
    %add3A_413 = arith.constant 29 : i32
    %add3A_414 = arith.addi %mul3A_2, %add3A_413 : i32
    %mul3A_415 = arith.constant 32000 : i32
    %mul3A_416 = arith.muli %add3A_414, %mul3A_415 : i32
    %dma_wait3A_417 = tpu.memref_slice %arg3[%mul3A_416] : memref<32768000xf32, #tpu.memory_space<hbm>> -> memref<32000xf32, #tpu.memory_space<hbm>>
    %dma_wait3A_418 = tpu.memref_slice %arg3[%mul3A_416] : memref<32768000xf32, #tpu.memory_space<hbm>> -> memref<32000xf32, #tpu.memory_space<hbm>>
    tpu.wait_dma2 semaphore(%arg8 : memref<!tpu.dma_semaphore, #tpu.memory_space<semaphore_mem>>) src(%arg5 : memref<32000xf32, #tpu.memory_space<vmem>>) dst(%dma_wait3A_418 : memref<32000xf32, #tpu.memory_space<hbm>>)
    %add3A_419 = arith.constant 30 : i32
    %add3A_420 = arith.addi %mul3A_2, %add3A_419 : i32
    %mul3A_421 = arith.constant 32000 : i32
    %mul3A_422 = arith.muli %add3A_420, %mul3A_421 : i32
    %dma_wait3A_423 = tpu.memref_slice %arg3[%mul3A_422] : memref<32768000xf32, #tpu.memory_space<hbm>> -> memref<32000xf32, #tpu.memory_space<hbm>>
    %dma_wait3A_424 = tpu.memref_slice %arg3[%mul3A_422] : memref<32768000xf32, #tpu.memory_space<hbm>> -> memref<32000xf32, #tpu.memory_space<hbm>>
    tpu.wait_dma2 semaphore(%arg8 : memref<!tpu.dma_semaphore, #tpu.memory_space<semaphore_mem>>) src(%arg5 : memref<32000xf32, #tpu.memory_space<vmem>>) dst(%dma_wait3A_424 : memref<32000xf32, #tpu.memory_space<hbm>>)
    %add3A_425 = arith.constant 31 : i32
    %add3A_426 = arith.addi %mul3A_2, %add3A_425 : i32
    %mul3A_427 = arith.constant 32000 : i32
    %mul3A_428 = arith.muli %add3A_426, %mul3A_427 : i32
    %dma_wait3A_429 = tpu.memref_slice %arg3[%mul3A_428] : memref<32768000xf32, #tpu.memory_space<hbm>> -> memref<32000xf32, #tpu.memory_space<hbm>>
    %dma_wait3A_430 = tpu.memref_slice %arg3[%mul3A_428] : memref<32768000xf32, #tpu.memory_space<hbm>> -> memref<32000xf32, #tpu.memory_space<hbm>>
    tpu.wait_dma2 semaphore(%arg8 : memref<!tpu.dma_semaphore, #tpu.memory_space<semaphore_mem>>) src(%arg5 : memref<32000xf32, #tpu.memory_space<vmem>>) dst(%dma_wait3A_430 : memref<32000xf32, #tpu.memory_space<hbm>>)
    %dma_start3A_431 = arith.constant 0 : i32
    %dma_start3A_432 = tpu.memref_slice %arg3[%dma_start3A_431] : memref<32768000xf32, #tpu.memory_space<hbm>> -> memref<32768000xf32, #tpu.memory_space<hbm>>
    tpu.enqueue_indirect_dma source(%arg7 : memref<32xf32, #tpu.memory_space<vmem>>) target(%dma_start3A_432 : memref<32768000xf32, #tpu.memory_space<hbm>>) offsets(%arg6 : memref<32xi32, #tpu.memory_space<vmem>>) semaphore(%arg9 : memref<!tpu.dma_semaphore, #tpu.memory_space<semaphore_mem>>)
    %dma_wait3A_433 = arith.constant 0 : i32
    %dma_wait3A_434 = tpu.memref_slice %arg3[%dma_wait3A_433] : memref<32768000xf32, #tpu.memory_space<hbm>> -> memref<32768000xf32, #tpu.memory_space<hbm>>
    tpu.wait_indirect_dma semaphore(%arg9 : memref<!tpu.dma_semaphore, #tpu.memory_space<semaphore_mem>>) src(%arg7 : memref<32xf32, #tpu.memory_space<vmem>>) dst(%dma_wait3A_434 : memref<32768000xf32, #tpu.memory_space<hbm>>)
    return
  }
}

</mosaic_0001>

<sc_bundles>
// kernel: kernel.3.cloned.1.call-start
scs
__scs_entry_jumppad:
0x0: {  	(pc) =	sbr.rel $0x88, $3  }
0x1: {  	(tag) =	ssettag $0x0;
	lr =	simm.s32 $0x1  }
0x2: {  	[smem:$0x3FA0] =	sst lr;
	_ =	strace $0xD0000000  }
0x3: {  	_ = 	snop  }
0x4: {  	_ = 	snop  }
0x5: {  	_ = 	snop  }
0x6: {  	_ = 	snop  }
0x7: {  	_ = 	snop  }
__scs_overlays_trampoline_lowered:
0x8: {  	[smem:$0x3FAF] =	sst s0  }
0x9: {  	[smem:$0x3FB0] =	sst s1  }
0xa: {  	[smem:$0x3FB1] =	sst s2  }
0xb: {  	[smem:$0x3FB2] =	sst s3  }
0xc: {  	[smem:$0x3FB3] =	sst s4  }
0xd: {  	[smem:$0x3FB4] =	sst s5  }
0xe: {  	[smem:$0x3FB5] =	sst s6  }
0xf: {  	[smem:$0x3FB6] =	sst s7  }
0x10: {  	[smem:$0x3FB7] =	sst s8  }
0x11: {  	[smem:$0x3FB8] =	sst s9;
	s0 =	simm.s32 @!p0 $0x0  }
0x12: {  	s1 =	sld [smem:$0x3F9E];
	s0 =	simm.s32 @p0 $0x1  }
0x13: {  	[smem:$0x3FB9] =	sst s0;
	s0 =	simm.s32 @!p1 $0x0  }
0x14: {  	s2 =	sld [smem:$0x3F9D];
	s0 =	simm.s32 @p1 $0x1  }
0x15: {  	[smem:$0x3FBA] =	sst s0;
	s0 =	simm.s32 @!p2 $0x0  }
0x16: {  	s3 =	sld [smem:$0x3FDB];
	s0 =	simm.s32 @p2 $0x1  }
0x17: {  	s4 =	simm.s32 $0x1BF5;
	[smem:$0x3FBC] =	sst s0  }
0x18: {  	s0 =	sld [smem:$0x3F9F];
	_ =	swait.ge [sflag:s4], $0x0  }
0x19: {  	s7 =	sld [smem:$0x3FA0]  }
0x1a: {  	s8 =	sadd.s32 $0xFFFFE003, lr  }
0x1b: {  	s9 =	sadd.s32 $0xFFFFFEF7, lr;
	s5 =	simm.s32 $0xFFFFFFFF;
	p2 =	slt.u32 s8, $0xFFFFF086  }
0x1c: {  	p1 =	slt.u32 s9, $0xF7A;
	s5 =	simm.s32 @!p2 $0x0  }
0x1d: {  	s5 =	simm.s32 @p1 $0x1;
	p0 =	seq.s32 s7, s2  }
0x1e: {  	s7 =	smul.u32 @!p0 $0xF7A, s2;
	p2 =	seq.s32 @!p0 s5, $0x0  }
0x1f: {  	s9 =	smul.u32 $0xF7A, s1;
	s8 =	simm.s32 @!p0 $0x1BF5;
	p2 =	por !p2, p0  }
0x20: {  	[sflag:s8] =	ssyncset.s32 @!p0 $0xFFFFF086;
	s6 =	sadd.s32 @!p0 s3, s7;
	s7 =	simm.s32 @!p0 $0x108  }
0x21: {  	s3 =	sadd.s32 s3, s9;
	s6 =	sadd.s32 @!p0 $0x88, s6;
	s7 =	simm.s32 @p2 $0x1082  }
0x22: {  	[simem:s7], [sflag:s8] =	dma.local @!p0 [hbm:s6], $0xF7A  }
0x23: {  	s9 =	sor.u32 $0xD0000000, s2;
	s6 =	simm.s32 $0x108;
	_ =	swait.ge @!p0 [sflag:s8], $0x0  }
0x24: {  	s3 =	sadd.s32 $0x88, s3;
	s6 =	simm.s32 @!p1 $0x1082;
	[sflag:s4] =	ssyncset.s32 $0xFFFFF086  }
0x25: {  	[simem:s6], [sflag:s4] =	dma.local [hbm:s3], $0xF7A  }
0x26: {  	[smem:$0x3FA0] =	sst s1;
	(tag) =	ssettag s2;
	_ =	strace s9  }
0x27: {  	s1 =	sld [smem:$0x3FB0]  }
0x28: {  	s2 =	sld [smem:$0x3FB1]  }
0x29: {  	s4 =	sld [smem:$0x3FB3]  }
0x2a: {  	p0 =	seq.s32 s5, $0x0;
	s5 =	sld [smem:$0x3FB4]  }
0x2b: {  	s6 =	sld [smem:$0x3FB5]  }
0x2c: {  	s7 =	sld [smem:$0x3FB6]  }
0x2d: {  	s3 =	simm.s32 $0x108;
	s8 =	sld [smem:$0x3FB7]  }
0x2e: {  	s3 =	simm.s32 @!p0 $0x1082;
	s9 =	sld [smem:$0x3FB8]  }
0x2f: {  	lr =	sadd.s32 s0, s3;
	s0 =	sld [smem:$0x3FAF]  }
0x30: {  	s3 =	sld [smem:$0x3FB2]  }
0x31: {  	[smem:$0x3FBB] =	sst s10  }
0x32: {  	s10 =	sld [smem:$0x3FB9];
	_ =	sdelay $0x3  }
0x33: {  	p0 =	seq.s32 s10, $0x1;
	s10 =	sld [smem:$0x3FBB];
	_ =	sdelay $0x3  }
0x34: {  	[smem:$0x3FBB] =	sst s10  }
0x35: {  	s10 =	sld [smem:$0x3FBA];
	_ =	sdelay $0x3  }
0x36: {  	p1 =	seq.s32 s10, $0x1;
	s10 =	sld [smem:$0x3FBB];
	_ =	sdelay $0x3  }
0x37: {  	[smem:$0x3FBB] =	sst s10  }
0x38: {  	s10 =	sld [smem:$0x3FBC]  }
0x39: {  	_ = 	snop;
	(pc) =	sbr.ind lr, $3  }
0x3a: {  	_ = 	snop  }
0x3b: {  	_ = 	snop  }
0x3c: {  	p2 =	seq.s32 s10, $0x1;
	s10 =	sld [smem:$0x3FBB]  }
0x3d: {  	_ =	shalt  }
0x3e: {  	_ =	shalt  }
0x3f: {  	_ =	shalt  }
0x40: {  	_ =	shalt  }
0x41: {  	_ =	shalt  }
0x42: {  	_ =	shalt  }
0x43: {  	_ =	shalt  }
0x44: {  	_ =	shalt  }
0x45: {  	_ =	shalt  }
0x46: {  	_ =	shalt  }
0x47: {  	_ =	shalt  }
0x48: {  	_ =	shalt  }
0x49: {  	_ =	shalt  }
0x4a: {  	_ =	shalt  }
0x4b: {  	_ =	shalt  }
0x4c: {  	_ =	shalt  }
0x4d: {  	_ =	shalt  }
0x4e: {  	_ =	shalt  }
0x4f: {  	_ =	shalt  }
0x50: {  	_ =	shalt  }
0x51: {  	_ =	shalt  }
0x52: {  	_ =	shalt  }
0x53: {  	_ =	shalt  }
0x54: {  	_ =	shalt  }
0x55: {  	_ =	shalt  }
0x56: {  	_ =	shalt  }
0x57: {  	_ =	shalt  }
0x58: {  	_ =	shalt  }
0x59: {  	_ =	shalt  }
0x5a: {  	_ =	shalt  }
0x5b: {  	_ =	shalt  }
0x5c: {  	_ =	shalt  }
0x5d: {  	_ =	shalt  }
0x5e: {  	_ =	shalt  }
0x5f: {  	_ =	shalt  }
0x60: {  	_ =	shalt  }
0x61: {  	_ =	shalt  }
0x62: {  	_ =	shalt  }
0x63: {  	_ =	shalt  }
0x64: {  	_ =	shalt  }
0x65: {  	_ =	shalt  }
0x66: {  	_ =	shalt  }
0x67: {  	_ =	shalt  }
0x68: {  	_ =	shalt  }
0x69: {  	_ =	shalt  }
0x6a: {  	_ =	shalt  }
0x6b: {  	_ =	shalt  }
0x6c: {  	_ =	shalt  }
0x6d: {  	_ =	shalt  }
0x6e: {  	_ =	shalt  }
0x6f: {  	_ =	shalt  }
0x70: {  	_ =	shalt  }
0x71: {  	_ =	shalt  }
0x72: {  	_ =	shalt  }
0x73: {  	_ =	shalt  }
0x74: {  	_ =	shalt  }
0x75: {  	_ =	shalt  }
0x76: {  	_ =	shalt  }
0x77: {  	_ =	shalt  }
0x78: {  	_ =	shalt  }
0x79: {  	_ =	shalt  }
0x7a: {  	_ =	shalt  }
0x7b: {  	_ =	shalt  }
0x7c: {  	_ =	shalt  }
0x7d: {  	_ =	shalt  }
0x7e: {  	_ =	shalt  }
0x7f: {  	_ =	shalt  }
0x80: {  	_ =	shalt  }
0x81: {  	_ =	shalt  }
0x82: {  	_ =	shalt  }
0x83: {  	_ =	shalt  }
0x84: {  	_ =	shalt  }
0x85: {  	_ =	shalt  }
0x86: {  	_ =	shalt  }
0x87: {  	_ =	shalt  }
.Lfunc_end0:
.L_simem_size_0:
called_computation_lowered:
.L_overlay_start_0:
0x88: {  	s2 =	sld [smem:$0x3FD9]  }
0x89: {  	s3 =	sld [smem:$0x3FFE];
	_ =	sdelay $0x1  }
0x8a: {  	s1 =	srdreg.scid  }
0x8b: {  	s0 =	sand.u32 $0x1, s1  }
0x8c: {  	s17 =	sshll.u32 s0, $0xA;
	s2 =	sadd.s32 s3, s2  }
0x8d: {  	s2 =	sadd.s32 s2, s17  }
0x8e: {  	[smem:$0x3FC7] =	sst s2  }
0x8f: {  	_ = 	snop  }
0x90: {  	s2 =	sld [smem:$0x3FD0];
	(tm) =	ssettm $0x1  }
0x91: {  	s18 =	sld [smem:$0x3FFB];
	_ =	sdelay $0x3  }
0x92: {  	_ =	strace s18  }
0x93: {  	s3 =	sld [smem:$0x3FFC];
	_ =	sdelay $0x3  }
0x94: {  	_ =	strace s3  }
0x95: {  	s3 =	sld [smem:$0x3FFD];
	_ =	sdelay $0x3  }
0x96: {  	_ =	strace s3  }
0x97: {  	_ =	strace $0x8FFFFFFF  }
0x98: {  	s19 =	sld [smem:$0x3FDB];
	_ =	sdelay $0x1  }
0x99: {  	s4 =	simm.s32 $_scs_section_size  }
0x9a: {  	s5 =	simm.s32 $_size__tile_overlayer_lowered;
	s6 =	simm.s32 $_tile_overlayer_lowered  }
0x9b: {  	s22 =	simm.s32 $0x1BFF;
	s21 =	sshll.u32 s6, $0x1;
	s3 =	sadd.s32 s4, s19  }
0x9c: {  	s7 =	simm.s32 $0x0;
	s20 =	sshll.u32 s5, $0x1;
	s5 =	sadd.s32 s21, s3  }
0x9d: {  	[timem:s7], [sflag:s22] =	dma.local [hbm:s5], s20  }
0x9e: {  	_ =	swait.ge [sflag:s22], s20  }
0x9f: {  	s4 =	ssub.s32 $0x0, s20;
	[sflag:s22] =	ssyncset.done $0x0  }
0xa0: {  	[sflag:s22] =	ssyncadd.s32 s4;
	_ =	sdelay $0x1  }
0xa1: {  	s23 =	simm.s32 $0x1B8B  }
0xa2: {  	_ =	swait.ge [sflag:s23], $0x1  }
0xa3: {  	[sflag:s23] =	ssyncset.done $0x0  }
0xa4: {  	s25 =	simm.s32 $0x1B8E;
	s24 =	sld [smem:$0x3FFE];
	[sflag:s23] =	ssyncadd.s32 $0xFFFFFFFF  }
0xa5: {  	s26 =	simm.s32 $execute0_lowered;
	[smem:$0x3FD2] =	sst s25  }
0xa6: {  	s5 =	sshll.u32 s26, $0x1;
	_ =	strace $0x80000046;
	[dreg:$0x1] =	wrdreg $0xFFFFFFFF  }
0xa7: {  	s28 =	simm.s32 $_size_execute0_lowered;
	s3 =	sadd.s32 s3, s5;
	[dreg:$0x0] =	wrdreg $0x0  }
0xa8: {  	s5 =	sshll.u32 s28, $0x1;
	[dreg:$0x2] =	wrdreg s3  }
0xa9: {  	[dreg:$0x3] =	wrdreg s5  }
0xaa: {  	[dreg:$0x4] =	wrdreg $0xC0  }
0xab: {  	_ =	task [dreg:s7], $0x5FFFF  }
0xac: {  	[dreg:$0x1] =	wrdreg $0xFFFFFFFF  }
0xad: {  	[dreg:$0x0] =	wrdreg $0x60  }
0xae: {  	[dreg:$0x2] =	wrdreg s2  }
0xaf: {  	[dreg:$0x3] =	wrdreg s24  }
0xb0: {  	[dreg:$0x4] =	wrdreg $0x9  }
0xb1: {  	_ =	task.clear_ibuf [dreg:s7], $0x5FFFF;
	_ =	strace $0x90000046  }
0xb2: {  	s29 =	simm.s32 $0x9;
	_ =	strace $0x80000048  }
0xb3: {  	_ =	swait.ge [sflag:s29], $0x1  }
0xb4: {  	[sflag:s29] =	ssyncadd.s32 $0xFFFFFFFF  }
0xb5: {  	_ =	strace $0x90000048  }
0xb6: {  	_ =	sfence  }
0xb7: {  	s30 =	sld [smem:$0x0];
	_ =	sdelay $0x2  }
0xb8: {  	s31 =	sshll.u32 s1, $0xD;
	s1 =	sshrl.u32 s1, $0x2  }
0xb9: {  	s3 =	sand.u32 $0x4000, s31;
	s1 =	sadd.s32 s1, s30  }
0xba: {  	s0 =	sor.u32 s3, s0;
	s1 =	sshll.u32 s1, $0x11  }
0xbb: {  	s0 =	sor.u32 s1, s0  }
0xbc: {  	s0 =	sadd.s32 $0x8F2B, s0  }
0xbd: {  	[sflag:s0] =	ssyncadd.remote.s32 $0x1  }
0xbe: {  	_ =	sfence.sel $0xFFFF  }
0xbf: {  	[dreg:$0x0] =	wrdreg $0xFFFFFFFF;
	(pc) =	sbr.abs _section_cstart, $3  }
0xc0: {  	[dreg:$0x1] =	wrdreg $0xFFFFFFFF  }
0xc1: {  	_ =	task.clear_ibuf [dreg:s7], $0x2FFFF;
	_ =	strace $0x9FFFFFFF  }
0xc2: {  	(tm) =	ssettm $0x7FFFFFFF  }
0xc3: {  	_ =	shalt  }
tec
execute0_lowered:
.L_overlay_start_1:
0x0: {  	(tag) =	ssettag $0x1  }
0x1: {  	s1 =	rddreg [dreg:$0x0]  }
0x2: {  	s0 =	rddreg [dreg:$0x1]  }
0x3: {  	s2 =	srdreg.scid;
	s3 =	stileid.u32;
	s6 =	simm.s32 $0x0  }
0x4: {  	s2 =	sand.u32 $0x1, s2;
	s3 =	sshll.u32 s3, $0x1;
	[smem:$0x7FF] =	sst s6  }
0x5: {  	s7 =	sadd.s32 $0x400, s0;
	s4 =	ssub.s32 $0x2, s2;
	s2 =	sor.u32 s2, s3  }
0x6: {  	_ =	strace $0x80000047;
	s21 =	sshrl.u32 s4, $0x1;
	s5 =	smul.u32 $0xFA000, s2  }
0x7: {  	s22 =	smul.u32 $0x1F400, s2;
	s23 =	sshll.u32 s2, $0x5;
	s2 =	sshll.u32 s2, $0x2  }
0x8: {  	[dreg:$0x3] =	wrdreg s7;
	s0 =	ssub.s32 s4, s21;
	s1 =	sadd.s32 s1, s2  }
0x9: {  	s5 =	sshrl.u32 s5, $0x3;
	[dreg:$0x4] =	wrdreg s1;
	s24 =	sadd.s32 s7, s22  }
0xa: {  	s0 =	smax.u32 s0, $0x1;
	[dreg:$0x5] =	wrdreg s24;
	s1 =	sadd.s32 s7, s5  }
0xb: {  	[smem:$0x7FD] =	sst s0;
	s25 =	sadd.s32 $0xFA0, s1  }
0xc: {  	s26 =	sadd.s32 $0x1F40, s1;
	[dreg:$0x6] =	wrdreg s25  }
0xd: {  	s28 =	sadd.s32 $0x2EE0, s1;
	[dreg:$0x7] =	wrdreg s26  }
0xe: {  	s29 =	sadd.s32 $0x3E80, s1;
	[dreg:$0x8] =	wrdreg s28  }
0xf: {  	s30 =	sadd.s32 $0x4E20, s1;
	[dreg:$0x9] =	wrdreg s29  }
0x10: {  	s5 =	sadd.s32 $0x5DC0, s1;
	[dreg:$0xa] =	wrdreg s30  }
0x11: {  	s8 =	sadd.s32 $0x6D60, s1;
	[dreg:$0xb] =	wrdreg s5  }
0x12: {  	s9 =	sadd.s32 $0x7D00, s1;
	[dreg:$0xc] =	wrdreg s8  }
0x13: {  	s10 =	sadd.s32 $0x8CA0, s1;
	[dreg:$0xd] =	wrdreg s9  }
0x14: {  	s11 =	sadd.s32 $0x9C40, s1;
	[dreg:$0xe] =	wrdreg s10  }
0x15: {  	s12 =	sadd.s32 $0xABE0, s1;
	[dreg:$0xf] =	wrdreg s11  }
0x16: {  	s13 =	sadd.s32 $0xBB80, s1;
	[dreg:$0x10] =	wrdreg s12  }
0x17: {  	s31 =	sor.u32 $0x10, s23;
	s14 =	sadd.s32 $0xCB20, s1;
	[dreg:$0x11] =	wrdreg s13  }
0x18: {  	s2 =	smul.u32 $0xFA0, s31;
	s15 =	sadd.s32 $0xDAC0, s1;
	[dreg:$0x12] =	wrdreg s14  }
0x19: {  	s16 =	sadd.s32 $0xEA60, s1;
	[dreg:$0x13] =	wrdreg s15  }
0x1a: {  	s2 =	sadd.s32 s7, s2;
	[dreg:$0x14] =	wrdreg s16  }
0x1b: {  	s17 =	sadd.s32 $0x109A0, s1;
	[dreg:$0x15] =	wrdreg s2  }
0x1c: {  	s18 =	sadd.s32 $0x11940, s1;
	[dreg:$0x16] =	wrdreg s17  }
0x1d: {  	s19 =	sadd.s32 $0x128E0, s1;
	[dreg:$0x17] =	wrdreg s18  }
0x1e: {  	s20 =	sadd.s32 $0x13880, s1;
	[dreg:$0x18] =	wrdreg s19  }
0x1f: {  	s21 =	sadd.s32 $0x14820, s1;
	[dreg:$0x19] =	wrdreg s20  }
0x20: {  	v4 =	vlaneseq.u32;
	v3 =	vimm.s32 $0xECA86420;
	s22 =	sadd.s32 $0x157C0, s1;
	[dreg:$0x1a] =	wrdreg s21  }
0x21: {  	vm0 =	vcmask $0xB08;
	vm1 =	vcmask $0x1310;
	v0 =	vmov s23;
	s23 =	sadd.s32 $0x16760, s1;
	[dreg:$0x1b] =	wrdreg s22  }
0x22: {  	vm2 =	vcmask $0x1B18;
	vm3 =	vcmask $0x300;
	vm4 =	vcmask $0x2320;
	s24 =	sadd.s32 $0x17700, s1;
	[dreg:$0x1c] =	wrdreg s23  }
0x23: {  	vm5 =	vcmask $0x2B28;
	vm6 =	vcmask $0x3330;
	v1 =	vmov s31;
	s31 =	sadd.s32 $0x1D4C0, s1;
	[dreg:$0x1d] =	wrdreg s24  }
0x24: {  	vm7 =	vcmask $0x3B38;
	vm8 =	vmmov $0xff;
	vm9 =	vcmask $0x704;
	s25 =	sadd.s32 $0x186A0, s1;
	[smem:$0x7FB] =	sst s31  }
0x25: {  	vm10 =	vcmask $0xF0C;
	vm11 =	vcmask $0x1714;
	vm12 =	vcmask $0x1F1C;
	s26 =	sadd.s32 $0x19640, s1;
	[dreg:$0x1e] =	wrdreg s25  }
0x26: {  	vm13 =	vcmask $0x2724;
	v0 =	vmul.u32 $0x7D00, v0;
	v1 =	vmul.u32 $0x7D00, v1;
	s28 =	sadd.s32 $0x1A5E0, s1;
	[dreg:$0x1f] =	wrdreg s26  }
0x27: {  	vm14 =	vcmask $0x2F2C;
	vm15 =	vcmask $0x3734;
	v3 =	vunpack.c.l.s4.s8 v3;
	s29 =	sadd.s32 $0x1B580, s1;
	[smem:$0x7F8] =	sst s28  }
0x28: {  	v2 =	vmul.u32 $0x7D00, v4;
	v0 =	vbroadcast v0, $0x0;
	v1 =	vbroadcast v1, $0x0;
	s30 =	sadd.s32 $0x1C520, s1;
	[smem:$0x7F9] =	sst s29  }
0x29: {  	v5 =	vimm.f32 $2.000000000e+01;
	v4 =	vmul.u32 $0x2, v4;
	v3 =	vunpack.c.0.s8.s32 v3;
	s1 =	sadd.s32 $0x1E460, s1;
	[smem:$0x7FA] =	sst s30  }
0x2a: {  	s11 =	simm.s32 $0x1;
	s2 =	simm.s32 $0x0;
	v0 =	vadd.s32 v2, v0;
	[smem:$0x7FC] =	sst s1;
	v1 =	vadd.s32 v2, v1;
	v2 =	vimm.f32 $-2.000000000e+01  }
.LBB2_1:
0x2b: {  	[smem:$0x7F7] =	sst s2  }
0x2c: {  	s0 =	rddreg [dreg:$0x4];
	s31 =	simm.s32 $0x3  }
0x2d: {  	[tilespmem:s6], [sflag:$0x3] =	stream.linear.gather [hbm4b:s0+s6], $0x20, $0x38;
	[tilespmem:$0x7E80] =	vst v63  }
0x2e: {  	_ =	swait.ge [sflag:s31], $0x20  }
0x2f: {  	[sflag:s31] =	ssyncset.done $0x0  }
0x30: {  	s1 =	simm.s32 $0x0;
	s0 =	simm.s32 $0x40;
	[sflag:s31] =	ssyncadd.s32 $0xFFFFFFE0  }
.LBB2_2:
0x31: {  	p0 =	sne.s32 s0, $0x1F3C0;
	[tilespmem:s1+$0x80] =	vst v2;
	s1 =	smov.u32 s0;
	s0 =	sadd.s32 $0x40, s0  }
.Ltmp0:
0x32: {  	(pc) =	sbr.rel @p0 .LBB2_2-.Ltmp0, $2  }
0x33: {  	_ =	sdelay $0x2  }
0x34: {  	s1 =	sshra.s32 s1, $0x2  }
0x35: {  	s0 =	rddreg [dreg:$0x5]  }
0x36: {  	[tilespmem:s1+$0x80] =	vst v2;
	s1 =	simm.s32 $0x80;
	s17 =	rddreg [dreg:$0x6]  }
0x37: {  	[hbm4b:s0+s6] =	stream.linear.scatter [tilespmem:s1], [sflag:$0x1], $0x7D00, $0x38;
	[tilespmem:$0x7E80] =	vst v63  }
0x38: {  	s18 =	rddreg [dreg:$0x7]  }
0x39: {  	[hbm4b:s17+s6] =	stream.linear.scatter [tilespmem:s1], [sflag:$0x1], $0x7D00, $0x38;
	[tilespmem:$0x7E80] =	vst v63  }
0x3a: {  	s19 =	rddreg [dreg:$0x8]  }
0x3b: {  	[hbm4b:s18+s6] =	stream.linear.scatter [tilespmem:s1], [sflag:$0x1], $0x7D00, $0x38;
	[tilespmem:$0x7E80] =	vst v63  }
0x3c: {  	s20 =	rddreg [dreg:$0x9]  }
0x3d: {  	[hbm4b:s19+s6] =	stream.linear.scatter [tilespmem:s1], [sflag:$0x1], $0x7D00, $0x38;
	[tilespmem:$0x7E80] =	vst v63  }
0x3e: {  	s21 =	rddreg [dreg:$0xa]  }
0x3f: {  	[hbm4b:s20+s6] =	stream.linear.scatter [tilespmem:s1], [sflag:$0x1], $0x7D00, $0x38;
	[tilespmem:$0x7E80] =	vst v63  }
0x40: {  	s22 =	rddreg [dreg:$0xb]  }
0x41: {  	[hbm4b:s21+s6] =	stream.linear.scatter [tilespmem:s1], [sflag:$0x1], $0x7D00, $0x38;
	[tilespmem:$0x7E80] =	vst v63  }
0x42: {  	s23 =	rddreg [dreg:$0xc]  }
0x43: {  	[hbm4b:s22+s6] =	stream.linear.scatter [tilespmem:s1], [sflag:$0x1], $0x7D00, $0x38;
	[tilespmem:$0x7E80] =	vst v63  }
0x44: {  	s24 =	rddreg [dreg:$0xd]  }
0x45: {  	[hbm4b:s23+s6] =	stream.linear.scatter [tilespmem:s1], [sflag:$0x1], $0x7D00, $0x38;
	[tilespmem:$0x7E80] =	vst v63  }
0x46: {  	s25 =	rddreg [dreg:$0xe]  }
0x47: {  	[hbm4b:s24+s6] =	stream.linear.scatter [tilespmem:s1], [sflag:$0x1], $0x7D00, $0x38;
	[tilespmem:$0x7E80] =	vst v63  }
0x48: {  	s26 =	rddreg [dreg:$0xf]  }
0x49: {  	[hbm4b:s25+s6] =	stream.linear.scatter [tilespmem:s1], [sflag:$0x1], $0x7D00, $0x38;
	[tilespmem:$0x7E80] =	vst v63  }
0x4a: {  	s28 =	rddreg [dreg:$0x10]  }
0x4b: {  	[hbm4b:s26+s6] =	stream.linear.scatter [tilespmem:s1], [sflag:$0x1], $0x7D00, $0x38;
	[tilespmem:$0x7E80] =	vst v63  }
0x4c: {  	s29 =	rddreg [dreg:$0x11]  }
0x4d: {  	[hbm4b:s28+s6] =	stream.linear.scatter [tilespmem:s1], [sflag:$0x1], $0x7D00, $0x38;
	[tilespmem:$0x7E80] =	vst v63  }
0x4e: {  	s30 =	rddreg [dreg:$0x12]  }
0x4f: {  	[hbm4b:s29+s6] =	stream.linear.scatter [tilespmem:s1], [sflag:$0x1], $0x7D00, $0x38;
	[tilespmem:$0x7E80] =	vst v63  }
0x50: {  	s31 =	rddreg [dreg:$0x13]  }
0x51: {  	[hbm4b:s30+s6] =	stream.linear.scatter [tilespmem:s1], [sflag:$0x1], $0x7D00, $0x38;
	[tilespmem:$0x7E80] =	vst v63  }
0x52: {  	s2 =	rddreg [dreg:$0x14]  }
0x53: {  	[hbm4b:s31+s6] =	stream.linear.scatter [tilespmem:s1], [sflag:$0x1], $0x7D00, $0x38;
	[tilespmem:$0x7E80] =	vst v63  }
0x54: {  	s3 =	rddreg [dreg:$0x15]  }
0x55: {  	[hbm4b:s2+s6] =	stream.linear.scatter [tilespmem:s1], [sflag:$0x1], $0x7D00, $0x38;
	[tilespmem:$0x7E80] =	vst v63  }
0x56: {  	s4 =	rddreg [dreg:$0x16]  }
0x57: {  	[hbm4b:s3+s6] =	stream.linear.scatter [tilespmem:s1], [sflag:$0x1], $0x7D00, $0x38;
	[tilespmem:$0x7E80] =	vst v63  }
0x58: {  	s5 =	rddreg [dreg:$0x17]  }
0x59: {  	[hbm4b:s4+s6] =	stream.linear.scatter [tilespmem:s1], [sflag:$0x1], $0x7D00, $0x38;
	[tilespmem:$0x7E80] =	vst v63  }
0x5a: {  	s7 =	rddreg [dreg:$0x18]  }
0x5b: {  	[hbm4b:s5+s6] =	stream.linear.scatter [tilespmem:s1], [sflag:$0x1], $0x7D00, $0x38;
	[tilespmem:$0x7E80] =	vst v63  }
0x5c: {  	s8 =	rddreg [dreg:$0x19]  }
0x5d: {  	[hbm4b:s7+s6] =	stream.linear.scatter [tilespmem:s1], [sflag:$0x1], $0x7D00, $0x38;
	[tilespmem:$0x7E80] =	vst v63  }
0x5e: {  	s9 =	rddreg [dreg:$0x1a]  }
0x5f: {  	[hbm4b:s8+s6] =	stream.linear.scatter [tilespmem:s1], [sflag:$0x1], $0x7D00, $0x38;
	[tilespmem:$0x7E80] =	vst v63  }
0x60: {  	s10 =	rddreg [dreg:$0x1b]  }
0x61: {  	[hbm4b:s9+s6] =	stream.linear.scatter [tilespmem:s1], [sflag:$0x1], $0x7D00, $0x38;
	[tilespmem:$0x7E80] =	vst v63  }
0x62: {  	s12 =	rddreg [dreg:$0x1c]  }
0x63: {  	[hbm4b:s10+s6] =	stream.linear.scatter [tilespmem:s1], [sflag:$0x1], $0x7D00, $0x38;
	[tilespmem:$0x7E80] =	vst v63  }
0x64: {  	s13 =	rddreg [dreg:$0x1d]  }
0x65: {  	[hbm4b:s12+s6] =	stream.linear.scatter [tilespmem:s1], [sflag:$0x1], $0x7D00, $0x38;
	[tilespmem:$0x7E80] =	vst v63  }
0x66: {  	s14 =	rddreg [dreg:$0x1e]  }
0x67: {  	[hbm4b:s13+s6] =	stream.linear.scatter [tilespmem:s1], [sflag:$0x1], $0x7D00, $0x38;
	[tilespmem:$0x7E80] =	vst v63  }
0x68: {  	s15 =	rddreg [dreg:$0x1f]  }
0x69: {  	[hbm4b:s14+s6] =	stream.linear.scatter [tilespmem:s1], [sflag:$0x1], $0x7D00, $0x38;
	[tilespmem:$0x7E80] =	vst v63  }
0x6a: {  	s16 =	sld [smem:$0x7F8]  }
0x6b: {  	[hbm4b:s15+s6] =	stream.linear.scatter [tilespmem:s1], [sflag:$0x1], $0x7D00, $0x38;
	[tilespmem:$0x7E80] =	vst v63  }
0x6c: {  	s17 =	sld [smem:$0x7F9]  }
0x6d: {  	[hbm4b:s16+s6] =	stream.linear.scatter [tilespmem:s1], [sflag:$0x1], $0x7D00, $0x38;
	[tilespmem:$0x7E80] =	vst v63  }
0x6e: {  	s18 =	sld [smem:$0x7FA]  }
0x6f: {  	[hbm4b:s17+s6] =	stream.linear.scatter [tilespmem:s1], [sflag:$0x1], $0x7D00, $0x38;
	[tilespmem:$0x7E80] =	vst v63  }
0x70: {  	s19 =	sld [smem:$0x7FB]  }
0x71: {  	[hbm4b:s18+s6] =	stream.linear.scatter [tilespmem:s1], [sflag:$0x1], $0x7D00, $0x38;
	[tilespmem:$0x7E80] =	vst v63  }
0x72: {  	s20 =	sld [smem:$0x7FC]  }
0x73: {  	[hbm4b:s19+s6] =	stream.linear.scatter [tilespmem:s1], [sflag:$0x1], $0x7D00, $0x38;
	[tilespmem:$0x7E80] =	vst v63  }
0x74: {  	_ = 	snop  }
0x75: {  	[hbm4b:s20+s6] =	stream.linear.scatter [tilespmem:s1], [sflag:$0x1], $0x7D00, $0x38;
	[tilespmem:$0x7E80] =	vst v63  }
0x76: {  	v6 =	vld [tilespmem:$0x0];
	_ =	sdelay $0x4  }
0x77: {  	v6 =	vadd.s32 $0x1, v6  }
0x78: {  	(v2sf) =	vpush v6, $0xD;
	_ =	sdelay $0x1  }
0x79: {  	(v2sf) =	vpush v6, $0xC;
	_ =	sdelay $0x1  }
0x7a: {  	(v2sf) =	vpush v6, $0xE;
	_ =	sdelay $0x1  }
0x7b: {  	(v2sf) =	vpush v6, $0xF;
	_ =	sdelay $0x1  }
0x7c: {  	(v2sf) =	vpush v6, $0x9;
	_ =	sdelay $0x1  }
0x7d: {  	(v2sf) =	vpush v6, $0x8;
	_ =	sdelay $0x1  }
0x7e: {  	(v2sf) =	vpush v6, $0xA;
	_ =	sdelay $0x1  }
0x7f: {  	(v2sf) =	vpush v6, $0xB  }
0x80: {  	s21 =	spop (v2sf)  }
0x81: {  	(v2sf) =	vpush v6, $0x0;
	s10 =	smulhi.u32 $0x10624DD3, s21;
	s0 =	sshra.s32 s21, $0x1F  }
0x82: {  	s22 =	spop (v2sf);
	s17 =	smul.u32 $0x10624DD3, s0  }
0x83: {  	(v2sf) =	vpush v6, $0x1;
	s15 =	smulhi.u32 $0x10624DD3, s22;
	s0 =	sshra.s32 s22, $0x1F  }
0x84: {  	s23 =	spop (v2sf);
	s31 =	smul.u32 $0x10624DD3, s0  }
0x85: {  	(v2sf) =	vpush v6, $0x2;
	s18 =	smulhi.u32 $0x10624DD3, s23;
	s0 =	sshra.s32 s23, $0x1F  }
0x86: {  	s24 =	spop (v2sf);
	(v2sf) =	vpush v6, $0x3;
	s8 =	smul.u32 $0x10624DD3, s0  }
0x87: {  	s19 =	smulhi.u32 $0x10624DD3, s24;
	s0 =	sshra.s32 s24, $0x1F  }
0x88: {  	s25 =	spop (v2sf);
	(v2sf) =	vpush v6, $0x4;
	s12 =	smul.u32 $0x10624DD3, s0  }
0x89: {  	s20 =	smulhi.u32 $0x10624DD3, s25;
	s0 =	sshra.s32 s25, $0x1F  }
0x8a: {  	s26 =	spop (v2sf);
	(v2sf) =	vpush v6, $0x5;
	s3 =	smul.u32 $0x10624DD3, s0  }
0x8b: {  	s21 =	smulhi.u32 $0x10624DD3, s26;
	s0 =	sshra.s32 s26, $0x1F  }
0x8c: {  	s4 =	spop (v2sf);
	s1 =	smul.u32 $0x10624DD3, s0  }
0x8d: {  	v7 =	vld [tilespmem:$0x10];
	(v2sf) =	vpush v6, $0x6;
	s22 =	smulhi.u32 $0x10624DD3, s4;
	s4 =	sshra.s32 s4, $0x1F  }
0x8e: {  	s28 =	spop (v2sf);
	s2 =	smul.u32 $0x10624DD3, s4  }
0x8f: {  	(v2sf) =	vpush v6, $0x7;
	s24 =	smulhi.u32 $0x10624DD3, s28;
	s6 =	sshra.s32 s28, $0x1F  }
0x90: {  	s9 =	smul.u32 $0x10624DD3, s6;
	s7 =	spop (v2sf)  }
0x91: {  	s6 =	smulhi.u32 $0x10624DD3, s7;
	s7 =	sshra.s32 s7, $0x1F  }
0x92: {  	v7 =	vadd.s32 $0x1, v7;
	s13 =	spop (v2sf);
	s29 =	smul.u32 $0x10624DD3, s7  }
0x93: {  	(v2sf) =	vpush v7, $0xD;
	s25 =	smulhi.u32 $0x10624DD3, s13;
	s13 =	sshra.s32 s13, $0x1F  }
0x94: {  	(v2sf) =	vpush v7, $0xC;
	s14 =	spop (v2sf);
	s13 =	smul.u32 $0x10624DD3, s13  }
0x95: {  	(v2sf) =	vpush v7, $0xE;
	s30 =	smulhi.u32 $0x10624DD3, s14;
	s4 =	spop (v2sf)  }
0x96: {  	s14 =	sshra.s32 s14, $0x1F;
	[smem:$0x7DC] =	sst s29;
	s5 =	smulhi.u32 $0x10624DD3, s4  }
0x97: {  	s7 =	smul.u32 $0x10624DD3, s14;
	s14 =	sshra.s32 s4, $0x1F;
	s16 =	spop (v2sf)  }
0x98: {  	[smem:$0x7DE] =	sst s5;
	s5 =	smul.u32 $0x10624DD3, s14  }
0x99: {  	(v2sf) =	vpush v7, $0xF;
	s29 =	spop (v2sf);
	s14 =	smulhi.u32 $0x10624DD3, s16  }
0x9a: {  	s16 =	sshra.s32 s16, $0x1F;
	s23 =	smulhi.u32 $0x10624DD3, s29  }
0x9b: {  	[smem:$0x7DD] =	sst s30;
	s29 =	sshra.s32 s29, $0x1F;
	s4 =	smul.u32 $0x10624DD3, s16  }
0x9c: {  	s10 =	sadd.s32 s17, s10;
	(v2sf) =	vpush v7, $0x9;
	s26 =	spop (v2sf);
	s30 =	smul.u32 $0x10624DD3, s29  }
0x9d: {  	[smem:$0x7EC] =	sst s10;
	s28 =	smulhi.u32 $0x10624DD3, s26  }
0x9e: {  	(v2sf) =	vpush v7, $0x8;
	s29 =	sshra.s32 s26, $0x1F;
	[smem:$0x7DF] =	sst s14;
	s14 =	spop (v2sf)  }
0x9f: {  	s13 =	sadd.s32 s13, s25;
	[smem:$0x7E1] =	sst s28;
	s28 =	smul.u32 $0x10624DD3, s29  }
0xa0: {  	s25 =	sld [smem:$0x7DD];
	s16 =	smulhi.u32 $0x10624DD3, s14;
	s29 =	sshra.s32 s14, $0x1F  }
0xa1: {  	(v2sf) =	vpush v7, $0xA;
	[smem:$0x7E0] =	sst s23;
	s26 =	smul.u32 $0x10624DD3, s29  }
0xa2: {  	[smem:$0x7E2] =	sst s16;
	s23 =	spop (v2sf)  }
0xa3: {  	s14 =	smulhi.u32 $0x10624DD3, s23;
	s29 =	sshra.s32 s23, $0x1F;
	s23 =	spop (v2sf)  }
0xa4: {  	s16 =	smul.u32 $0x10624DD3, s29;
	s17 =	spop (v2sf)  }
0xa5: {  	[smem:$0x7E3] =	sst s14;
	s14 =	smulhi.u32 $0x10624DD3, s23  }
0xa6: {  	s29 =	smulhi.u32 $0x10624DD3, s17;
	[smem:$0x7E4] =	sst s16  }
0xa7: {  	s16 =	sshra.s32 s23, $0x1F;
	s23 =	sadd.s32 s31, s15;
	[smem:$0x7E5] =	sst s14  }
0xa8: {  	s31 =	spop (v2sf);
	[smem:$0x7ED] =	sst s23  }
0xa9: {  	s0 =	smul.u32 $0x10624DD3, s16;
	[smem:$0x7E7] =	sst s29  }
0xaa: {  	s29 =	sadd.s32 s8, s18;
	s23 =	sadd.s32 s12, s19;
	s10 =	smulhi.u32 $0x10624DD3, s31  }
0xab: {  	(v2sf) =	vpush v7, $0xB;
	s18 =	sadd.s32 s3, s20;
	s12 =	spop (v2sf);
	s3 =	sld [smem:$0x7DF]  }
0xac: {  	s14 =	smulhi.u32 $0x10624DD3, s12;
	[smem:$0x7E6] =	sst s0  }
0xad: {  	s15 =	spop (v2sf);
	[smem:$0x7E9] =	sst s10  }
0xae: {  	(v2sf) =	vpush v7, $0x0;
	s0 =	sshra.s32 s17, $0x1F;
	s17 =	sadd.s32 s1, s21;
	s21 =	sld [smem:$0x7DC]  }
0xaf: {  	s16 =	sadd.s32 s9, s24;
	s0 =	smul.u32 $0x10624DD3, s0;
	[smem:$0x7EB] =	sst s14  }
0xb0: {  	(v2sf) =	vpush v7, $0x1;
	s14 =	sadd.s32 s2, s22;
	s22 =	spop (v2sf);
	s2 =	sld [smem:$0x7DE]  }
0xb1: {  	s24 =	smulhi.u32 $0x10624DD3, s22;
	s9 =	sshra.s32 s22, $0x1F;
	[smem:$0x7E8] =	sst s0  }
0xb2: {  	s0 =	sshra.s32 s31, $0x1F;
	s6 =	sadd.s32 s21, s6;
	s21 =	sld [smem:$0x7E1]  }
0xb3: {  	s10 =	smul.u32 $0x10624DD3, s9;
	s9 =	sadd.s32 s4, s3;
	s3 =	sld [smem:$0x7E3]  }
0xb4: {  	s4 =	sld [smem:$0x7E4];
	s0 =	smul.u32 $0x10624DD3, s0  }
0xb5: {  	s8 =	sadd.s32 s5, s2;
	s2 =	sld [smem:$0x7E2]  }
0xb6: {  	s20 =	sshra.s32 s15, $0x1F;
	s10 =	sadd.s32 s10, s24;
	[smem:$0x7EA] =	sst s0  }
0xb7: {  	(v2sf) =	vpush v7, $0x2;
	s0 =	sshra.s32 s12, $0x1F;
	s12 =	smul.u32 $0x10624DD3, s20;
	s20 =	sld [smem:$0x7E0]  }
0xb8: {  	[smem:$0x7F5] =	sst s10  }
0xb9: {  	(v2sf) =	vpush v7, $0x3;
	s19 =	smulhi.u32 $0x10624DD3, s15;
	s24 =	sshra.s32 s23, $0xB;
	s10 =	sld [smem:$0x7EC]  }
0xba: {  	s7 =	sadd.s32 s7, s25;
	s1 =	spop (v2sf);
	[smem:$0x7F3] =	sst s24  }
0xbb: {  	s22 =	smulhi.u32 $0x10624DD3, s1;
	s26 =	sadd.s32 s26, s2;
	s2 =	sld [smem:$0x7E5]  }
0xbc: {  	s31 =	smul.u32 $0x10624DD3, s0;
	s0 =	sadd.s32 s4, s3;
	s3 =	sld [smem:$0x7E6]  }
0xbd: {  	s15 =	sshra.s32 s1, $0x1F;
	s5 =	spop (v2sf);
	[smem:$0x7EE] =	sst s0  }
0xbe: {  	s30 =	sadd.s32 s30, s20;
	s20 =	smulhi.u32 $0x10624DD3, s5;
	s25 =	sshra.s32 s5, $0x1F  }
0xbf: {  	s28 =	sadd.s32 s28, s21;
	s1 =	spop (v2sf);
	s21 =	smul.u32 $0x10624DD3, s25  }
0xc0: {  	s5 =	smulhi.u32 $0x10624DD3, s1;
	s25 =	sshra.s32 s1, $0x1F;
	s1 =	sld [smem:$0x7E7]  }
0xc1: {  	s12 =	sadd.s32 s12, s19;
	s0 =	sadd.s32 s3, s2;
	s2 =	sld [smem:$0x7E8]  }
0xc2: {  	[smem:$0x7F4] =	sst s12  }
0xc3: {  	[smem:$0x7EF] =	sst s0  }
0xc4: {  	s15 =	smul.u32 $0x10624DD3, s15;
	s0 =	sadd.s32 s2, s1;
	s1 =	sld [smem:$0x7EA]  }
0xc5: {  	s24 =	sshrl.u32 s6, $0x1F;
	s4 =	smul.u32 $0x10624DD3, s25;
	[smem:$0x7F0] =	sst s0  }
0xc6: {  	v10 =	vmov s24;
	s24 =	sshrl.u32 s9, $0x1F;
	s25 =	spop (v2sf);
	s0 =	sld [smem:$0x7E9]  }
0xc7: {  	s19 =	sshrl.u32 s10, $0x1F;
	s3 =	smulhi.u32 $0x10624DD3, s25;
	s25 =	sshra.s32 s25, $0x1F  }
0xc8: {  	s20 =	sadd.s32 s21, s20;
	s2 =	smul.u32 $0x10624DD3, s25;
	s25 =	spop (v2sf)  }
0xc9: {  	s12 =	sadd.s32 s4, s5;
	s5 =	sshrl.u32 s18, $0x1F;
	s0 =	sadd.s32 s1, s0  }
0xca: {  	s4 =	sshrl.u32 s17, $0x1F;
	s17 =	sshra.s32 s17, $0xB;
	[smem:$0x7F1] =	sst s0  }
0xcb: {  	(v2sf) =	vpush v7, $0x4;
	s1 =	smulhi.u32 $0x10624DD3, s25;
	s0 =	sshra.s32 s25, $0x1F;
	s25 =	sld [smem:$0x7EB]  }
0xcc: {  	(v2sf) =	vpush v7, $0x5;
	s18 =	sshra.s32 s18, $0xB;
	v54 =	vmov s4;
	s4 =	sshra.s32 s28, $0xB;
	v13 =	vmov s17;
	s21 =	sadd.s32 s2, s3  }
0xcd: {  	(v2sf) =	vpush v7, $0x6;
	s3 =	sshrl.u32 s29, $0x1F;
	v13 =	vsel vm0, s18, v13;
	s0 =	smul.u32 $0x10624DD3, s0;
	s18 =	sld [smem:$0x7F1]  }
0xce: {  	(v2sf) =	vpush v7, $0x7;
	s25 =	sadd.s32 s31, s25;
	s31 =	sadd.s32 s15, s22;
	s22 =	sld [smem:$0x7ED]  }
0xcf: {  	s15 =	sadd.s32 s0, s1;
	s0 =	sshra.s32 s26, $0x1F;
	[smem:$0x7F2] =	sst s25  }
0xd0: {  	s1 =	sshra.s32 s6, $0xB;
	s6 =	sshra.s32 s6, $0x1F;
	[smem:$0x7F6] =	sst s31  }
0xd1: {  	s25 =	sshra.s32 s10, $0xB;
	s31 =	sshra.s32 s29, $0xB;
	s29 =	sshrl.u32 s23, $0x1F  }
0xd2: {  	s10 =	sshrl.u32 s14, $0x1F;
	s23 =	sshra.s32 s14, $0xB;
	v8 =	vmov s0;
	s14 =	sshrl.u32 s16, $0x1F  }
0xd3: {  	v10 =	vnsel vm3, $0x0, v10;
	s16 =	sshra.s32 s16, $0xB;
	s0 =	sshrl.u32 s13, $0x1F;
	v8 =	vsel vm3, s1, v8;
	s1 =	sshrl.u32 s7, $0x1F  }
0xd4: {  	v10 =	vsel vm0, s0, v10;
	s0 =	sshra.s32 s9, $0xB;
	s2 =	sshrl.u32 s22, $0x1F;
	s22 =	sshra.s32 s22, $0xB  }
0xd5: {  	v13 =	vsel vm1, s23, v13;
	v8 =	vsel vm9, s6, v8;
	s6 =	sshra.s32 s13, $0xB;
	s13 =	sshra.s32 s13, $0x1F;
	v52 =	vsel vm1, s1, v10;
	s1 =	sshra.s32 s30, $0xB  }
0xd6: {  	v13 =	vsel vm2, s16, v13;
	s16 =	sshrl.u32 s12, $0x1F;
	v9 =	vmov s2;
	v8 =	vsel vm0, s6, v8;
	s2 =	sshra.s32 s7, $0xB;
	s6 =	sshra.s32 s7, $0x1F  }
0xd7: {  	s7 =	sshrl.u32 s8, $0x1F;
	v12 =	vmov s22;
	s22 =	sld [smem:$0x7EE];
	v9 =	vsel vm0, s19, v9;
	v8 =	vsel vm10, s13, v8;
	s19 =	sshra.s32 s8, $0xB  }
0xd8: {  	s8 =	sshra.s32 s8, $0x1F;
	v12 =	vsel vm0, s25, v12;
	s25 =	sld [smem:$0x7F2];
	v11 =	vsel vm1, s2, v8;
	s2 =	sshra.s32 s9, $0x1F  }
0xd9: {  	v9 =	vsel vm1, s3, v9;
	s3 =	sshrl.u32 s30, $0x1F;
	s9 =	sshrl.u32 s28, $0x1F;
	v12 =	vsel vm1, s31, v12;
	s31 =	sld [smem:$0x7F3]  }
0xda: {  	v51 =	vsel vm2, s29, v9;
	v53 =	vsel vm11, s6, v11;
	s6 =	sshra.s32 s30, $0x1F;
	v9 =	vsel vm2, s7, v52;
	s7 =	sshra.s32 s28, $0x1F;
	s30 =	spop (v2sf)  }
0xdb: {  	v11 =	vsel vm0, s5, v54;
	s29 =	sshrl.u32 s26, $0x1F;
	v9 =	vsel vm4, s24, v9;
	s5 =	smulhi.u32 $0x10624DD3, s30;
	s28 =	spop (v2sf)  }
0xdc: {  	v10 =	vsel vm2, s19, v53;
	s24 =	sshra.s32 s30, $0x1F;
	s19 =	sld [smem:$0x7F0];
	v9 =	vsel vm5, s3, v9;
	s3 =	spop (v2sf)  }
0xdd: {  	v11 =	vsel vm1, s10, v11;
	s13 =	sshra.s32 s28, $0x1F;
	v9 =	vsel vm6, s9, v9;
	s9 =	smulhi.u32 $0x10624DD3, s28;
	s30 =	spop (v2sf)  }
0xde: {  	v10 =	vsel vm12, s8, v10;
	v11 =	vsel vm2, s14, v11;
	v12 =	vsel vm2, s31, v12;
	s8 =	sshrl.u32 s20, $0x1F;
	s28 =	smulhi.u32 $0x10624DD3, s30;
	s10 =	sshra.s32 s30, $0x1F  }
0xdf: {  	s17 =	sshrl.u32 s25, $0x1F;
	s14 =	sshrl.u32 s18, $0x1F;
	v10 =	vsel vm4, s0, v10;
	v14 =	vmov s8;
	v9 =	vsel vm7, s29, v9;
	s29 =	smul.u32 $0x10624DD3, s10  }
0xe0: {  	s31 =	sshra.s32 s20, $0x1F;
	s0 =	smul.u32 $0x10624DD3, s24;
	s24 =	sld [smem:$0x7EF];
	v8 =	vcombine.low v11, v51;
	v10 =	vsel vm13, s2, v10;
	v14 =	vnsel vm3, $0x0, v14  }
0xe1: {  	v55 =	vcombine.low v13, v12;
	s2 =	sshra.s32 s26, $0xB;
	v10 =	vsel vm5, s1, v10;
	s10 =	sshrl.u32 s22, $0x1F;
	v14 =	vsel vm0, s16, v14;
	s26 =	sadd.s32 s29, s28  }
0xe2: {  	s1 =	smul.u32 $0x10624DD3, s13;
	s5 =	sadd.s32 s0, s5;
	v8 =	vperm.xlane v8, v3;
	v9 =	vperm.xlane v9, v4;
	v10 =	vsel vm14, s6, v10;
	s23 =	sshra.s32 s26, $0x1F  }
0xe3: {  	s16 =	sld [smem:$0x7F5];
	v11 =	vperm.xlane v55, v3;
	s30 =	sshrl.u32 s24, $0x1F;
	v10 =	vsel vm6, s4, v10;
	s29 =	sshra.s32 s20, $0xB;
	v16 =	vmov s23  }
0xe4: {  	s6 =	sshra.s32 s12, $0xB;
	s12 =	sshra.s32 s12, $0x1F;
	s4 =	sshrl.u32 s19, $0x1F;
	v15 =	vmov s30;
	v8 =	vsel vm8, v9, v8;
	v16 =	vsel vm3, s29, v16  }
0xe5: {  	s28 =	sshrl.u32 s21, $0x1F;
	s30 =	smulhi.u32 $0x10624DD3, s3;
	s3 =	sshra.s32 s3, $0x1F;
	v10 =	vsel vm15, s7, v10;
	v15 =	vsel vm0, s10, v15;
	v16 =	vsel vm9, s31, v16  }
0xe6: {  	s0 =	sadd.s32 s1, s9;
	v14 =	vsel vm1, s28, v14;
	s3 =	smul.u32 $0x10624DD3, s3;
	s7 =	sld [smem:$0x7F4];
	v15 =	vsel vm1, s4, v15;
	v16 =	vsel vm0, s6, v16  }
0xe7: {  	s10 =	sshrl.u32 s5, $0x1F;
	v10 =	vsel vm7, s2, v10;
	s4 =	sshrl.u32 s15, $0x1F;
	v15 =	vsel vm2, s14, v15;
	s14 =	sshra.s32 s21, $0xB;
	v16 =	vsel vm10, s12, v16  }
0xe8: {  	s13 =	sshrl.u32 s0, $0x1F;
	s23 =	sshra.s32 s21, $0x1F;
	v14 =	vsel vm2, s4, v14;
	s4 =	sshra.s32 s24, $0xB;
	v10 =	vperm.xlane v10, v4;
	v16 =	vsel vm1, s14, v16  }
0xe9: {  	s28 =	sld [smem:$0x7F6];
	s8 =	sshrl.u32 s7, $0x1F;
	v14 =	vsel vm4, s10, v14;
	s31 =	sshra.s32 s15, $0xB;
	v18 =	vmov s4;
	v16 =	vsel vm11, s23, v16  }
0xea: {  	s1 =	sadd.s32 s3, s30;
	s9 =	sshra.s32 s7, $0xB;
	s10 =	sshra.s32 s15, $0x1F;
	v17 =	vmov s8;
	v14 =	vsel vm5, s13, v14;
	v16 =	vsel vm2, s31, v16  }
0xeb: {  	s20 =	sshrl.u32 s1, $0x1F;
	v19 =	vmov s9;
	v17 =	vsel vm0, s17, v17;
	s17 =	sshrl.u32 s16, $0x1F;
	s14 =	sshra.s32 s5, $0xB;
	v16 =	vsel vm12, s10, v16  }
0xec: {  	s13 =	sshra.s32 s25, $0xB;
	v14 =	vsel vm6, s20, v14;
	s12 =	sshra.s32 s22, $0xB;
	v17 =	vsel vm1, s17, v17;
	s17 =	sshra.s32 s5, $0x1F;
	v16 =	vsel vm4, s14, v16  }
0xed: {  	s29 =	sshrl.u32 s28, $0x1F;
	v19 =	vsel vm0, s13, v19;
	s16 =	sshra.s32 s16, $0xB;
	s20 =	sshra.s32 s0, $0xB;
	v18 =	vsel vm0, s12, v18;
	v16 =	vsel vm13, s17, v16  }
0xee: {  	s15 =	sshra.s32 s19, $0xB;
	s19 =	sshra.s32 s28, $0xB;
	s0 =	sshra.s32 s0, $0x1F;
	v19 =	vsel vm1, s16, v19;
	v17 =	vsel vm2, s29, v17;
	v16 =	vsel vm5, s20, v16  }
0xef: {  	s18 =	sshra.s32 s18, $0xB;
	s21 =	sshra.s32 s1, $0xB;
	v18 =	vsel vm1, s15, v18;
	v19 =	vsel vm2, s19, v19;
	v56 =	vsel vm14, s0, v16  }
0xf0: {  	s30 =	sshrl.u32 s26, $0x1F;
	s22 =	sshra.s32 s1, $0x1F;
	v18 =	vsel vm2, s18, v18;
	v57 =	vcombine.low v17, v15;
	v12 =	vsel vm6, s21, v56  }
0xf1: {  	v14 =	vsel vm7, s30, v14;
	s23 =	sshra.s32 s26, $0xB;
	v58 =	vcombine.low v19, v18;
	v12 =	vsel vm15, s22, v12  }
0xf2: {  	v60 =	vperm.xlane v14, v4;
	v59 =	vperm.xlane v57, v3;
	v12 =	vsel vm7, s23, v12  }
0xf3: {  	v10 =	vsel vm8, v10, v11;
	v61 =	vperm.xlane v58, v3;
	v12 =	vperm.xlane v12, v4  }
0xf4: {  	v8 =	vadd.s32 v8, v10  }
0xf5: {  	v8 =	vmul.u32 $0x7D00, v8;
	v9 =	vsel vm8, v60, v59;
	v62 =	vsel vm8, v12, v61  }
0xf6: {  	v9 =	vadd.s32 v9, v62  }
0xf7: {  	v6 =	vsub.s32 v6, v8;
	v63 =	vmul.u32 $0x7D00, v9  }
0xf8: {  	[tilespmem:$0x7E00] =	vst v5;
	v6 =	vadd.s32 v6, v0  }
0xf9: {  	[tilespmem:$0x7D80] =	vst v6;
	v6 =	vsub.s32 v7, v63  }
0xfa: {  	[tilespmem:$0x7E10] =	vst v5;
	v6 =	vadd.s32 v6, v1  }
0xfb: {  	[tilespmem:$0x7D90] =	vst v6  }
0xfc: {  	_ =	swait.ge [sflag:s11], $0x7D00  }
0xfd: {  	[sflag:s11] =	ssyncset.done $0x0  }
0xfe: {  	[sflag:s11] =	ssyncadd.s32 $0xFFFF8300  }
0xff: {  	_ =	swait.ge [sflag:s11], $0x7D00  }
0x100: {  	[sflag:s11] =	ssyncset.done $0x0  }
0x101: {  	[sflag:s11] =	ssyncadd.s32 $0xFFFF8300  }
0x102: {  	_ =	swait.ge [sflag:s11], $0x7D00  }
0x103: {  	[sflag:s11] =	ssyncset.done $0x0  }
0x104: {  	[sflag:s11] =	ssyncadd.s32 $0xFFFF8300  }
0x105: {  	_ =	swait.ge [sflag:s11], $0x7D00  }
0x106: {  	[sflag:s11] =	ssyncset.done $0x0  }
0x107: {  	[sflag:s11] =	ssyncadd.s32 $0xFFFF8300  }
0x108: {  	_ =	swait.ge [sflag:s11], $0x7D00  }
0x109: {  	[sflag:s11] =	ssyncset.done $0x0  }
0x10a: {  	[sflag:s11] =	ssyncadd.s32 $0xFFFF8300  }
0x10b: {  	_ =	swait.ge [sflag:s11], $0x7D00  }
0x10c: {  	[sflag:s11] =	ssyncset.done $0x0  }
0x10d: {  	[sflag:s11] =	ssyncadd.s32 $0xFFFF8300  }
0x10e: {  	_ =	swait.ge [sflag:s11], $0x7D00  }
0x10f: {  	[sflag:s11] =	ssyncset.done $0x0  }
0x110: {  	[sflag:s11] =	ssyncadd.s32 $0xFFFF8300  }
0x111: {  	_ =	swait.ge [sflag:s11], $0x7D00  }
0x112: {  	[sflag:s11] =	ssyncset.done $0x0  }
0x113: {  	[sflag:s11] =	ssyncadd.s32 $0xFFFF8300  }
0x114: {  	_ =	swait.ge [sflag:s11], $0x7D00  }
0x115: {  	[sflag:s11] =	ssyncset.done $0x0  }
0x116: {  	[sflag:s11] =	ssyncadd.s32 $0xFFFF8300  }
0x117: {  	_ =	swait.ge [sflag:s11], $0x7D00  }
0x118: {  	[sflag:s11] =	ssyncset.done $0x0  }
0x119: {  	[sflag:s11] =	ssyncadd.s32 $0xFFFF8300  }
0x11a: {  	_ =	swait.ge [sflag:s11], $0x7D00  }
0x11b: {  	[sflag:s11] =	ssyncset.done $0x0  }
0x11c: {  	[sflag:s11] =	ssyncadd.s32 $0xFFFF8300  }
0x11d: {  	_ =	swait.ge [sflag:s11], $0x7D00  }
0x11e: {  	[sflag:s11] =	ssyncset.done $0x0  }
0x11f: {  	[sflag:s11] =	ssyncadd.s32 $0xFFFF8300  }
0x120: {  	_ =	swait.ge [sflag:s11], $0x7D00  }
0x121: {  	[sflag:s11] =	ssyncset.done $0x0  }
0x122: {  	[sflag:s11] =	ssyncadd.s32 $0xFFFF8300  }
0x123: {  	_ =	swait.ge [sflag:s11], $0x7D00  }
0x124: {  	[sflag:s11] =	ssyncset.done $0x0  }
0x125: {  	[sflag:s11] =	ssyncadd.s32 $0xFFFF8300  }
0x126: {  	_ =	swait.ge [sflag:s11], $0x7D00  }
0x127: {  	[sflag:s11] =	ssyncset.done $0x0  }
0x128: {  	[sflag:s11] =	ssyncadd.s32 $0xFFFF8300  }
0x129: {  	_ =	swait.ge [sflag:s11], $0x7D00  }
0x12a: {  	[sflag:s11] =	ssyncset.done $0x0  }
0x12b: {  	[sflag:s11] =	ssyncadd.s32 $0xFFFF8300  }
0x12c: {  	_ =	swait.ge [sflag:s11], $0x7D00  }
0x12d: {  	[sflag:s11] =	ssyncset.done $0x0  }
0x12e: {  	[sflag:s11] =	ssyncadd.s32 $0xFFFF8300  }
0x12f: {  	_ =	swait.ge [sflag:s11], $0x7D00  }
0x130: {  	[sflag:s11] =	ssyncset.done $0x0  }
0x131: {  	[sflag:s11] =	ssyncadd.s32 $0xFFFF8300  }
0x132: {  	_ =	swait.ge [sflag:s11], $0x7D00  }
0x133: {  	[sflag:s11] =	ssyncset.done $0x0  }
0x134: {  	[sflag:s11] =	ssyncadd.s32 $0xFFFF8300  }
0x135: {  	_ =	swait.ge [sflag:s11], $0x7D00  }
0x136: {  	[sflag:s11] =	ssyncset.done $0x0  }
0x137: {  	[sflag:s11] =	ssyncadd.s32 $0xFFFF8300  }
0x138: {  	_ =	swait.ge [sflag:s11], $0x7D00  }
0x139: {  	[sflag:s11] =	ssyncset.done $0x0  }
0x13a: {  	[sflag:s11] =	ssyncadd.s32 $0xFFFF8300  }
0x13b: {  	_ =	swait.ge [sflag:s11], $0x7D00  }
0x13c: {  	[sflag:s11] =	ssyncset.done $0x0  }
0x13d: {  	[sflag:s11] =	ssyncadd.s32 $0xFFFF8300  }
0x13e: {  	_ =	swait.ge [sflag:s11], $0x7D00  }
0x13f: {  	[sflag:s11] =	ssyncset.done $0x0  }
0x140: {  	[sflag:s11] =	ssyncadd.s32 $0xFFFF8300  }
0x141: {  	_ =	swait.ge [sflag:s11], $0x7D00  }
0x142: {  	[sflag:s11] =	ssyncset.done $0x0  }
0x143: {  	[sflag:s11] =	ssyncadd.s32 $0xFFFF8300  }
0x144: {  	_ =	swait.ge [sflag:s11], $0x7D00  }
0x145: {  	[sflag:s11] =	ssyncset.done $0x0  }
0x146: {  	[sflag:s11] =	ssyncadd.s32 $0xFFFF8300  }
0x147: {  	_ =	swait.ge [sflag:s11], $0x7D00  }
0x148: {  	[sflag:s11] =	ssyncset.done $0x0  }
0x149: {  	[sflag:s11] =	ssyncadd.s32 $0xFFFF8300  }
0x14a: {  	_ =	swait.ge [sflag:s11], $0x7D00  }
0x14b: {  	[sflag:s11] =	ssyncset.done $0x0  }
0x14c: {  	[sflag:s11] =	ssyncadd.s32 $0xFFFF8300  }
0x14d: {  	_ =	swait.ge [sflag:s11], $0x7D00  }
0x14e: {  	[sflag:s11] =	ssyncset.done $0x0  }
0x14f: {  	[sflag:s11] =	ssyncadd.s32 $0xFFFF8300  }
0x150: {  	_ =	swait.ge [sflag:s11], $0x7D00  }
0x151: {  	[sflag:s11] =	ssyncset.done $0x0  }
0x152: {  	[sflag:s11] =	ssyncadd.s32 $0xFFFF8300  }
0x153: {  	_ =	swait.ge [sflag:s11], $0x7D00  }
0x154: {  	[sflag:s11] =	ssyncset.done $0x0  }
0x155: {  	[sflag:s11] =	ssyncadd.s32 $0xFFFF8300  }
0x156: {  	_ =	swait.ge [sflag:s11], $0x7D00  }
0x157: {  	[sflag:s11] =	ssyncset.done $0x0  }
0x158: {  	[sflag:s11] =	ssyncadd.s32 $0xFFFF8300  }
0x159: {  	s28 =	simm.s32 $0x7E00;
	_ =	swait.ge [sflag:s11], $0x7D00  }
0x15a: {  	s25 =	simm.s32 $0x20;
	s26 =	simm.s32 $0x7D80;
	[sflag:s11] =	ssyncset.done $0x0  }
0x15b: {  	s29 =	simm.s32 $0x2;
	s24 =	rddreg [dreg:$0x3];
	[sflag:s11] =	ssyncadd.s32 $0xFFFF8300  }
0x15c: {  	[hbm4b:s24+s25] =	stream.indirect.scatter [tilespmem:s28], [sflag:$0x2], $0x1, s26, s25, $0xb8;
	[tilespmem:$0x7E80] =	vst v63  }
0x15d: {  	_ =	swait.ge [sflag:s29], $0x20  }
0x15e: {  	s30 =	sld [smem:$0x7F7]  }
0x15f: {  	s31 =	sld [smem:$0x7FD];
	_ =	sdelay $0x1  }
0x160: {  	s2 =	sadd.s32 $0x1, s30  }
0x161: {  	p0 =	sne.s32 s2, s31  }
.Ltmp1:
0x162: {  	_ = 	snop;
	(pc) =	sbr.rel @p0 .LBB2_1-.Ltmp1, $3  }
0x163: {  	_ =	sdelay $0x1  }
0x164: {  	[sflag:s29] =	ssyncset.done $0x0  }
0x165: {  	s6 =	simm.s32 $0x0;
	[sflag:s29] =	ssyncadd.s32 $0xFFFFFFE0  }
0x166: {  	_ =	sfence.sel $0x180000  }
0x167: {  	[bflag:$0x0] =	sbarrier.arrive $0xFFFF  }
0x168: {  	_ =	strace $0x90000047  }
0x169: {  	s0 =	stileid.u32;
	[bflag:$0x2] =	sbarrier.arrive $0xFFFF  }
0x16a: {  	p0 =	sne.s32 s0, $0x0;
	s0 =	rddreg [dreg:$0x2]  }
0x16b: {  	s0 =	sadd.s32 @!p0 $0x100000, s0  }
0x16c: {  	[sflag:s0] =	ssyncadd.tile.s32 @!p0 $0x1;
	_ =	shalt  }
.Lfunc_end2:
_tile_overlayer_lowered:
.L_overlay_start_2:
0x16d: {  	(tag) =	ssettag $0x2  }
0x16e: {  	s0 =	rddreg [dreg:$0x0];
	s2 =	stileid.u32  }
0x16f: {  	s1 =	rddreg [dreg:$0x1];
	p0 =	sne.s32 s2, $0x0  }
0x170: {  	s3 =	rddreg [dreg:$0x2];
	[bflag:$0x3] =	sbarrier.arrive $0xFFFF;
	s2 =	simm.s32 @!p0 $0x1C03  }
0x171: {  	[timem:s3], [sflag:s2] =	dma.local @!p0 [hbm:s0], s1  }
0x172: {  	s0 =	simm.s32 @!p0 $0x3  }
0x173: {  	_ =	swait.ge @!p0 [sflag:s0], s1  }
0x174: {  	s1 =	ssub.s32 @!p0 $0x0, s1;
	[sflag:s0] =	ssyncset.done @!p0 $0x0  }
0x175: {  	[sflag:s0] =	ssyncadd.s32 @!p0 s1  }
0x176: {  	[bflag:$0x3] =	sbarrier.arrive $0xFFFF  }
0x177: {  	_ =	shalt  }

</sc_bundles>
